<compile_context>
chip_gen: v7x
topology: tpu7x:2x2x1
jax: 0.10.2.dev20260603
libtpu: 0.0.44.dev20260713+nightly
codegen_flags: <defaults>
</compile_context>

<pallas_src>
import functools

import jax
import jax.numpy as jnp
from jax import lax
from jax.experimental import pallas as pl
from jax.experimental.pallas import tpu as pltpu
from jax.experimental.pallas import tpu_sc as plsc

E = 8
K = 2
H = 1024
T = 2048
CAP = 640
AUX_COEF = 0.01
Z_COEF = 0.001
BT = 256
G = T // BT

NC = 2
NS = 16
NW = NC * NS
TPW = T // NW
R = 8
NG = TPW // R
ROWW = E * CAP
ROWD = ROWW // 4


def _gate_kernel(x_ref, w_ref, idx_ref, scol_ref, wcol_ref, sval_ref,
                 sbit_ref, lb_ref, z_ref, counts_ref, psum_ref, zsum_ref):
    i = pl.program_id(0)

    @pl.when(i == 0)
    def _init():
        counts_ref[...] = jnp.zeros_like(counts_ref)
        psum_ref[...] = jnp.zeros_like(psum_ref)
        zsum_ref[...] = jnp.zeros_like(zsum_ref)

    x = x_ref[...]
    w = w_ref[...]
    logits = jax.lax.dot_general(
        x, w, (((1,), (1,)), ((), ())),
        preferred_element_type=jnp.float32)

    col = jax.lax.broadcasted_iota(jnp.int32, (BT, E), 1)
    m0 = jnp.max(logits, axis=1, keepdims=True)
    i0 = jnp.min(jnp.where(logits == m0, col, E), axis=1, keepdims=True)
    masked = jnp.where(col == i0, -jnp.inf, logits)
    m1 = jnp.max(masked, axis=1, keepdims=True)
    i1 = jnp.min(jnp.where(masked == m1, col, E), axis=1, keepdims=True)

    t = jnp.exp(m1 - m0)
    w0 = 1.0 / (1.0 + t)
    w1 = t / (1.0 + t)

    ex = jnp.exp(logits - m0)
    zdenom = jnp.sum(ex, axis=1, keepdims=True)
    probs = ex / zdenom
    psum_ref[...] += jnp.sum(probs, axis=0, keepdims=True)
    zsum_ref[...] += jnp.sum(m0 + jnp.log(zdenom)).reshape(1, 1)

    a = (col == i0).astype(jnp.float32) + (col == i1).astype(jnp.float32)

    r_i = jax.lax.broadcasted_iota(jnp.int32, (BT, BT), 0)
    c_i = jax.lax.broadcasted_iota(jnp.int32, (BT, BT), 1)
    tri = (r_i > c_i).astype(jnp.float32)
    c_local = jax.lax.dot_general(
        tri, a, (((1,), (0,)), ((), ())),
        preferred_element_type=jnp.float32)
    c_global = c_local + counts_ref[...]

    p0 = jnp.sum(jnp.where(col == i0, c_global, 0.0), axis=1, keepdims=True)
    p1 = jnp.sum(jnp.where(col == i1, c_global, 0.0), axis=1, keepdims=True)
    p0 = p0.astype(jnp.int32)
    p1 = p1.astype(jnp.int32)

    counts_ref[...] += jnp.sum(a, axis=0, keepdims=True)

    idx_ref[...] = jnp.concatenate([i0, i1], axis=1)

    sc0 = i0 * CAP + jnp.minimum(p0, CAP - 1)
    sc1 = i1 * CAP + jnp.minimum(p1, CAP - 1)
    scol_ref[...] = jnp.concatenate([sc0, sc1], axis=1)
    wcol_ref[...] = jnp.concatenate([sc0 >> 2, sc1 >> 2], axis=1)
    sval_ref[...] = jnp.concatenate(
        [jnp.where(p0 < CAP, w0, 0.0), jnp.where(p1 < CAP, w1, 0.0)], axis=1)
    b0 = jnp.where(p0 < CAP, 1 << ((sc0 & 3) * 8), 0)
    b1 = jnp.where(p1 < CAP, 1 << ((sc1 & 3) * 8), 0)
    sbit_ref[...] = jnp.concatenate([b0, b1], axis=1)

    tpe = jnp.minimum(counts_ref[...], float(CAP))
    tpe = tpe / jnp.sum(tpe)
    mean_prob = psum_ref[...] / float(T)
    lb_ref[...] = (AUX_COEF * E * jnp.sum(mean_prob * tpe)).reshape(1, 1)
    z_ref[...] = (Z_COEF * zsum_ref[...] / float(T)).reshape(1, 1)


def _tc_gate(x, W_gate):
    return pl.pallas_call(
        _gate_kernel,
        grid=(G,),
        in_specs=[
            pl.BlockSpec((BT, H), lambda i: (i, 0)),
            pl.BlockSpec((E, H), lambda i: (0, 0)),
        ],
        out_specs=[
            pl.BlockSpec((BT, K), lambda i: (i, 0)),
            pl.BlockSpec((BT, K), lambda i: (i, 0)),
            pl.BlockSpec((BT, K), lambda i: (i, 0)),
            pl.BlockSpec((BT, K), lambda i: (i, 0)),
            pl.BlockSpec((BT, K), lambda i: (i, 0)),
            pl.BlockSpec((1, 1), lambda i: (0, 0)),
            pl.BlockSpec((1, 1), lambda i: (0, 0)),
        ],
        out_shape=[
            jax.ShapeDtypeStruct((T, K), jnp.int32),
            jax.ShapeDtypeStruct((T, K), jnp.int32),
            jax.ShapeDtypeStruct((T, K), jnp.int32),
            jax.ShapeDtypeStruct((T, K), jnp.float32),
            jax.ShapeDtypeStruct((T, K), jnp.int32),
            jax.ShapeDtypeStruct((1, 1), jnp.float32),
            jax.ShapeDtypeStruct((1, 1), jnp.float32),
        ],
        scratch_shapes=[
            pltpu.VMEM((1, E), jnp.float32),
            pltpu.VMEM((1, E), jnp.float32),
            pltpu.VMEM((1, 1), jnp.float32),
        ],
        compiler_params=pltpu.CompilerParams(
            dimension_semantics=("arbitrary",),
        ),
    )(x, W_gate)


def _combine_body(scol, wcol, sval, sbit, outc, outd,
                  colv, wcolv, valv, bitv, cb0, cb1, db0, db1,
                  csem0, csem1, dsem0, dsem1):
    wid = lax.axis_index("s") * NC + lax.axis_index("c")
    base = wid * TPW

    pltpu.sync_copy(scol.at[pl.ds(base * K, TPW * K)], colv)
    pltpu.sync_copy(wcol.at[pl.ds(base * K, TPW * K)], wcolv)
    pltpu.sync_copy(sval.at[pl.ds(base * K, TPW * K)], valv)
    pltpu.sync_copy(sbit.at[pl.ds(base * K, TPW * K)], bitv)

    z16f = jnp.zeros((16,), jnp.float32)
    z16i = jnp.zeros((16,), jnp.int32)
    cbufs = (cb0, cb1)
    dbufs = (db0, db1)
    csems = (csem0, csem1)
    dsems = (dsem0, dsem1)

    def _zero_bufs(b):
        def _zc(j, carry):
            for l in range(16):
                cbufs[b][pl.ds(j * 256 + l * 16, 16)] = z16f
            return carry
        lax.fori_loop(0, R * ROWW // 256, _zc, 0)

        def _zd(j, carry):
            for l in range(16):
                dbufs[b][pl.ds(j * 256 + l * 16, 16)] = z16i
            return carry
        lax.fori_loop(0, R * ROWD // 256, _zd, 0)

    tg = lax.iota(jnp.int32, 16) >> 1

    def _cidx(g):
        return tg * ROWW + colv[pl.ds(g * 16, 16)]

    def _didx(g):
        return tg * ROWD + wcolv[pl.ds(g * 16, 16)]

    cdesc = [None, None]
    ddesc = [None, None]
    for g in range(NG):
        b = g & 1
        if g < 2:
            _zero_bufs(b)
        else:
            cdesc[b].wait()
            ddesc[b].wait()
            plsc.store_scatter(cbufs[b], [_cidx(g - 2)], z16f)
            plsc.store_scatter(dbufs[b], [_didx(g - 2)], z16i)
        plsc.store_scatter(cbufs[b], [_cidx(g)], valv[pl.ds(g * 16, 16)])
        plsc.store_scatter(dbufs[b], [_didx(g)], bitv[pl.ds(g * 16, 16)])
        cdesc[b] = pltpu.async_copy(
            cbufs[b], outc.at[pl.ds((base + g * R) * ROWW, R * ROWW)],
            csems[b])
        ddesc[b] = pltpu.async_copy(
            dbufs[b], outd.at[pl.ds((base + g * R) * ROWD, R * ROWD)],
            dsems[b])
    for b in (0, 1):
        cdesc[b].wait()
        ddesc[b].wait()


def _make_combine_sc():
    return pl.kernel(
        _combine_body,
        out_type=[
            jax.ShapeDtypeStruct((T * E * CAP,), jnp.float32),
            jax.ShapeDtypeStruct((T * E * CAP // 4,), jnp.int32),
        ],
        mesh=plsc.VectorSubcoreMesh(core_axis_name="c", subcore_axis_name="s",
                                    num_cores=NC, num_subcores=NS),
        scratch_types=[
            pltpu.VMEM((TPW * K,), jnp.int32),
            pltpu.VMEM((TPW * K,), jnp.int32),
            pltpu.VMEM((TPW * K,), jnp.float32),
            pltpu.VMEM((TPW * K,), jnp.int32),
            pltpu.VMEM((R * ROWW,), jnp.float32),
            pltpu.VMEM((R * ROWW,), jnp.float32),
            pltpu.VMEM((R * ROWD,), jnp.int32),
            pltpu.VMEM((R * ROWD,), jnp.int32),
            pltpu.SemaphoreType.DMA,
            pltpu.SemaphoreType.DMA,
            pltpu.SemaphoreType.DMA,
            pltpu.SemaphoreType.DMA,
        ],
        compiler_params=pltpu.CompilerParams(needs_layout_passes=False),
    )


@jax.jit
def kernel(hidden_states, W_gate):
    x = hidden_states.reshape(T, H)
    idx, scol, wcol, sval, sbit, lb, z = _tc_gate(x, W_gate)
    combine_flat, disp_words = _make_combine_sc()(
        scol.reshape(T * K), wcol.reshape(T * K),
        sval.reshape(T * K), sbit.reshape(T * K))
    combine = combine_flat.reshape(T, E, CAP)
    disp_bytes = lax.bitcast_convert_type(disp_words, jnp.int8)
    dispatch = disp_bytes.reshape(T, E, CAP).astype(jnp.bool_)
    return dispatch, combine, idx, lb.reshape(()), z.reshape(())

# --- scband reference (transcript-rebuilt; emitter-appended) ---
"""Pipeline reference for scband-top-kgate-72464688218816 (READ-ONLY COPY).

The authoritative reference and input builder live on the scoring server;
editing this copy changes nothing except your own understanding.
"""

import jax, jax.numpy as jnp
import numpy as np

NUM_EXPERTS = 8
TOP_K = 2
HIDDEN = 1024
CAPACITY_FACTOR = 1.25
AUX_COEF = 0.01
Z_COEF = 0.001


def setup_inputs(seed: int = 0) -> dict:
    key = jax.random.key(seed)
    k1, k2 = jax.random.split(key)
    hidden_states = jax.random.normal(k1, (1, 2048, HIDDEN), dtype=jnp.float32)
    W_gate = jax.random.normal(k2, (NUM_EXPERTS, HIDDEN), dtype=jnp.float32) * 0.02
    return {"hidden_states": hidden_states, "W_gate": W_gate}


def reference(hidden_states, W_gate):
    b, s, h = hidden_states.shape
    num_tokens = b * s
    x = hidden_states.reshape(-1, h)
    gate_logits = x @ W_gate.T
    top_k_logits, top_k_indices = jax.lax.top_k(gate_logits, TOP_K)
    top_k_weights = jax.nn.softmax(top_k_logits, axis=-1)
    expert_capacity = max(int(num_tokens * TOP_K / NUM_EXPERTS * CAPACITY_FACTOR), 1)

    # Flatten assignments in (token, k) order -- matches the torch loop order.
    flat_experts = top_k_indices.reshape(-1)            # [T*K]
    flat_weights = top_k_weights.reshape(-1)            # [T*K]
    token_idx = jnp.arange(num_tokens * TOP_K) // TOP_K # [T*K]

    # Position within each expert: count of prior assignments to same expert.
    one_hot = jax.nn.one_hot(flat_experts, NUM_EXPERTS, dtype=jnp.int32)
    pos = jnp.cumsum(one_hot, axis=0) - 1               # [T*K, E]
    pos_in_expert = jnp.take_along_axis(pos, flat_experts[:, None], axis=1).squeeze(1)

    valid = pos_in_expert < expert_capacity
    safe_pos = jnp.where(valid, pos_in_expert, expert_capacity)  # OOB -> dropped

    dispatch_mask = jnp.zeros((num_tokens, NUM_EXPERTS, expert_capacity), dtype=bool)
    dispatch_mask = dispatch_mask.at[token_idx, flat_experts, safe_pos].set(True, mode='drop')

    combine_weights = jnp.zeros((num_tokens, NUM_EXPERTS, expert_capacity), dtype=hidden_states.dtype)
    combine_weights = combine_weights.at[token_idx, flat_experts, safe_pos].set(flat_weights, mode='drop')

    # Aux losses (module defaults to training=True).
    gate_probs = jax.nn.softmax(gate_logits, axis=-1)
    mean_gate_prob = gate_probs.mean(axis=0)
    tokens_per_expert = dispatch_mask.sum(axis=(0, 2)).astype(jnp.float32)
    tokens_per_expert = tokens_per_expert / tokens_per_expert.sum()
    load_balancing_loss = AUX_COEF * NUM_EXPERTS * jnp.sum(mean_gate_prob * tokens_per_expert)
    router_z_loss = Z_COEF * jax.scipy.special.logsumexp(gate_logits, axis=-1).mean()

    return dispatch_mask, combine_weights, top_k_indices, load_balancing_loss, router_z_loss

if __name__ == "__main__":
    import jax
    _d = setup_inputs()
    print(jax.jit(kernel)(*tuple(_d.values())))

</pallas_src>

<mosaic_0001>
#map = affine_map<(d0, d1) -> (0)>
module attributes {stable_mosaic.version = 14 : i64} {
  func.func @_combine_body(%arg0: i32, %arg1: i32, %arg2: memref<4096xi32, #tpu.memory_space<hbm>>, %arg3: memref<4096xi32, #tpu.memory_space<hbm>>, %arg4: memref<4096xf32, #tpu.memory_space<hbm>>, %arg5: memref<4096xi32, #tpu.memory_space<hbm>>, %arg6: memref<10485760xf32, #tpu.memory_space<hbm>>, %arg7: memref<2621440xi32, #tpu.memory_space<hbm>>, %arg8: memref<128xi32, #tpu.memory_space<vmem>>, %arg9: memref<128xi32, #tpu.memory_space<vmem>>, %arg10: memref<128xf32, #tpu.memory_space<vmem>>, %arg11: memref<128xi32, #tpu.memory_space<vmem>>, %arg12: memref<40960xf32, #tpu.memory_space<vmem>>, %arg13: memref<40960xf32, #tpu.memory_space<vmem>>, %arg14: memref<10240xi32, #tpu.memory_space<vmem>>, %arg15: memref<10240xi32, #tpu.memory_space<vmem>>, %arg16: memref<!tpu.dma_semaphore, #tpu.memory_space<semaphore_mem>>, %arg17: memref<!tpu.dma_semaphore, #tpu.memory_space<semaphore_mem>>, %arg18: memref<!tpu.dma_semaphore, #tpu.memory_space<semaphore_mem>>, %arg19: memref<!tpu.dma_semaphore, #tpu.memory_space<semaphore_mem>>) attributes {dimension_semantics = [#tpu.dimension_semantics<core_parallel>, #tpu.dimension_semantics<subcore_parallel>], iteration_bounds = array<i64: 2, 16>, scalar_prefetch = 0 : i64, scratch_operands = 12 : i64, tpu.core_type = #tpu.core_type<sc_vector_subcore>, window_params = [{transform_indices = #map}, {transform_indices = #map}, {transform_indices = #map}, {transform_indices = #map}, {transform_indices = #map}, {transform_indices = #map}]} {
    %mul3A = arith.constant 2 : i32
    %mul3A_0 = arith.muli %arg1, %mul3A : i32
    %add3A = arith.addi %mul3A_0, %arg0 : i32
    %mul3A_1 = arith.constant 64 : i32
    %mul3A_2 = arith.muli %add3A, %mul3A_1 : i32
    %mul3A_3 = arith.constant 2 : i32
    %mul3A_4 = arith.muli %mul3A_2, %mul3A_3 : i32
    "tpu.region"() ({
      %run_scoped3A = tpu.sem_alloc : memref<!tpu.dma_semaphore, #tpu.memory_space<semaphore_mem>>
      %dma_start3A_364 = tpu.memref_slice %arg2[%mul3A_4] : memref<4096xi32, #tpu.memory_space<hbm>> -> memref<128xi32, #tpu.memory_space<hbm>>
      %dma_start3A_365 = tpu.memref_slice %arg2[%mul3A_4] : memref<4096xi32, #tpu.memory_space<hbm>> -> memref<128xi32, #tpu.memory_space<hbm>>
      tpu.enqueue_dma source(%dma_start3A_365 : memref<128xi32, #tpu.memory_space<hbm>>) target(%arg8 : memref<128xi32, #tpu.memory_space<vmem>>) target_semaphore(%run_scoped3A : memref<!tpu.dma_semaphore, #tpu.memory_space<semaphore_mem>>)
      %dma_wait3A_366 = tpu.memref_slice %arg2[%mul3A_4] : memref<4096xi32, #tpu.memory_space<hbm>> -> memref<128xi32, #tpu.memory_space<hbm>>
      %dma_wait3A_367 = tpu.memref_slice %arg2[%mul3A_4] : memref<4096xi32, #tpu.memory_space<hbm>> -> memref<128xi32, #tpu.memory_space<hbm>>
      tpu.wait_dma2 semaphore(%run_scoped3A : memref<!tpu.dma_semaphore, #tpu.memory_space<semaphore_mem>>) src(%dma_wait3A_367 : memref<128xi32, #tpu.memory_space<hbm>>) dst(%arg8 : memref<128xi32, #tpu.memory_space<vmem>>)
      tpu.yield
    }) : () -> ()
    %mul3A_5 = arith.constant 2 : i32
    %mul3A_6 = arith.muli %mul3A_2, %mul3A_5 : i32
    "tpu.region"() ({
      %run_scoped3A = tpu.sem_alloc : memref<!tpu.dma_semaphore, #tpu.memory_space<semaphore_mem>>
      %dma_start3A_364 = tpu.memref_slice %arg3[%mul3A_6] : memref<4096xi32, #tpu.memory_space<hbm>> -> memref<128xi32, #tpu.memory_space<hbm>>
      %dma_start3A_365 = tpu.memref_slice %arg3[%mul3A_6] : memref<4096xi32, #tpu.memory_space<hbm>> -> memref<128xi32, #tpu.memory_space<hbm>>
      tpu.enqueue_dma source(%dma_start3A_365 : memref<128xi32, #tpu.memory_space<hbm>>) target(%arg9 : memref<128xi32, #tpu.memory_space<vmem>>) target_semaphore(%run_scoped3A : memref<!tpu.dma_semaphore, #tpu.memory_space<semaphore_mem>>)
      %dma_wait3A_366 = tpu.memref_slice %arg3[%mul3A_6] : memref<4096xi32, #tpu.memory_space<hbm>> -> memref<128xi32, #tpu.memory_space<hbm>>
      %dma_wait3A_367 = tpu.memref_slice %arg3[%mul3A_6] : memref<4096xi32, #tpu.memory_space<hbm>> -> memref<128xi32, #tpu.memory_space<hbm>>
      tpu.wait_dma2 semaphore(%run_scoped3A : memref<!tpu.dma_semaphore, #tpu.memory_space<semaphore_mem>>) src(%dma_wait3A_367 : memref<128xi32, #tpu.memory_space<hbm>>) dst(%arg9 : memref<128xi32, #tpu.memory_space<vmem>>)
      tpu.yield
    }) : () -> ()
    %mul3A_7 = arith.constant 2 : i32
    %mul3A_8 = arith.muli %mul3A_2, %mul3A_7 : i32
    "tpu.region"() ({
      %run_scoped3A = tpu.sem_alloc : memref<!tpu.dma_semaphore, #tpu.memory_space<semaphore_mem>>
      %dma_start3A_364 = tpu.memref_slice %arg4[%mul3A_8] : memref<4096xf32, #tpu.memory_space<hbm>> -> memref<128xf32, #tpu.memory_space<hbm>>
      %dma_start3A_365 = tpu.memref_slice %arg4[%mul3A_8] : memref<4096xf32, #tpu.memory_space<hbm>> -> memref<128xf32, #tpu.memory_space<hbm>>
      tpu.enqueue_dma source(%dma_start3A_365 : memref<128xf32, #tpu.memory_space<hbm>>) target(%arg10 : memref<128xf32, #tpu.memory_space<vmem>>) target_semaphore(%run_scoped3A : memref<!tpu.dma_semaphore, #tpu.memory_space<semaphore_mem>>)
      %dma_wait3A_366 = tpu.memref_slice %arg4[%mul3A_8] : memref<4096xf32, #tpu.memory_space<hbm>> -> memref<128xf32, #tpu.memory_space<hbm>>
      %dma_wait3A_367 = tpu.memref_slice %arg4[%mul3A_8] : memref<4096xf32, #tpu.memory_space<hbm>> -> memref<128xf32, #tpu.memory_space<hbm>>
      tpu.wait_dma2 semaphore(%run_scoped3A : memref<!tpu.dma_semaphore, #tpu.memory_space<semaphore_mem>>) src(%dma_wait3A_367 : memref<128xf32, #tpu.memory_space<hbm>>) dst(%arg10 : memref<128xf32, #tpu.memory_space<vmem>>)
      tpu.yield
    }) : () -> ()
    %mul3A_9 = arith.constant 2 : i32
    %mul3A_10 = arith.muli %mul3A_2, %mul3A_9 : i32
    "tpu.region"() ({
      %run_scoped3A = tpu.sem_alloc : memref<!tpu.dma_semaphore, #tpu.memory_space<semaphore_mem>>
      %dma_start3A_364 = tpu.memref_slice %arg5[%mul3A_10] : memref<4096xi32, #tpu.memory_space<hbm>> -> memref<128xi32, #tpu.memory_space<hbm>>
      %dma_start3A_365 = tpu.memref_slice %arg5[%mul3A_10] : memref<4096xi32, #tpu.memory_space<hbm>> -> memref<128xi32, #tpu.memory_space<hbm>>
      tpu.enqueue_dma source(%dma_start3A_365 : memref<128xi32, #tpu.memory_space<hbm>>) target(%arg11 : memref<128xi32, #tpu.memory_space<vmem>>) target_semaphore(%run_scoped3A : memref<!tpu.dma_semaphore, #tpu.memory_space<semaphore_mem>>)
      %dma_wait3A_366 = tpu.memref_slice %arg5[%mul3A_10] : memref<4096xi32, #tpu.memory_space<hbm>> -> memref<128xi32, #tpu.memory_space<hbm>>
      %dma_wait3A_367 = tpu.memref_slice %arg5[%mul3A_10] : memref<4096xi32, #tpu.memory_space<hbm>> -> memref<128xi32, #tpu.memory_space<hbm>>
      tpu.wait_dma2 semaphore(%run_scoped3A : memref<!tpu.dma_semaphore, #tpu.memory_space<semaphore_mem>>) src(%dma_wait3A_367 : memref<128xi32, #tpu.memory_space<hbm>>) dst(%arg11 : memref<128xi32, #tpu.memory_space<vmem>>)
      tpu.yield
    }) : () -> ()
    %broadcast_in_dim3A = arith.constant 0.000000e+00 : f32
    %broadcast_in_dim3A_11 = vector.broadcast %broadcast_in_dim3A : f32 to vector<16xf32>
    %broadcast_in_dim3A_12 = arith.constant 0 : i32
    %broadcast_in_dim3A_13 = vector.broadcast %broadcast_in_dim3A_12 : i32 to vector<16xi32>
    %iota3A = tpu.iota {dimensions = array<i32: 0>} : vector<16xi32>
    %shift_right_arithmetic3A = arith.constant 1 : i32
    %shift_right_arithmetic3A_14 = vector.broadcast %shift_right_arithmetic3A : i32 to vector<16xi32>
    %shift_right_arithmetic3A_15 = arith.shrsi %iota3A, %shift_right_arithmetic3A_14 : vector<16xi32>
    %scan3A = arith.constant 0 : i32
    %scan3A_16 = arith.constant 0 : i32
    %scan3A_17 = arith.constant 160 : i32
    %scan3A_18 = arith.addi %scan3A_16, %scan3A_17 : i32
    %scan3A_19 = arith.constant 1 : i32
    scf.for %scan3A_364 = %scan3A_16 to %scan3A_18 step %scan3A_19  : i32 {
      %mul3A_365 = arith.constant 256 : i32
      %mul3A_366 = arith.muli %scan3A_364, %mul3A_365 : i32
      %add3A_367 = arith.constant 0 : i32
      %add3A_368 = arith.addi %mul3A_366, %add3A_367 : i32
      %swap3A = arith.index_cast %add3A_368 : i32 to index
      %swap3A_369 = tpu.vector_load %arg12[%swap3A] {strides = array<i32>} : memref<40960xf32, #tpu.memory_space<vmem>>, vector<16xf32>,
      tpu.vector_store %arg12[%swap3A], %broadcast_in_dim3A_11 {strides = array<i32>} : memref<40960xf32, #tpu.memory_space<vmem>>, vector<16xf32>,
      %mul3A_370 = arith.constant 256 : i32
      %mul3A_371 = arith.muli %scan3A_364, %mul3A_370 : i32
      %add3A_372 = arith.constant 16 : i32
      %add3A_373 = arith.addi %mul3A_371, %add3A_372 : i32
      %swap3A_374 = arith.index_cast %add3A_373 : i32 to index
      %swap3A_375 = tpu.vector_load %arg12[%swap3A_374] {strides = array<i32>} : memref<40960xf32, #tpu.memory_space<vmem>>, vector<16xf32>,
      tpu.vector_store %arg12[%swap3A_374], %broadcast_in_dim3A_11 {strides = array<i32>} : memref<40960xf32, #tpu.memory_space<vmem>>, vector<16xf32>,
      %mul3A_376 = arith.constant 256 : i32
      %mul3A_377 = arith.muli %scan3A_364, %mul3A_376 : i32
      %add3A_378 = arith.constant 32 : i32
      %add3A_379 = arith.addi %mul3A_377, %add3A_378 : i32
      %swap3A_380 = arith.index_cast %add3A_379 : i32 to index
      %swap3A_381 = tpu.vector_load %arg12[%swap3A_380] {strides = array<i32>} : memref<40960xf32, #tpu.memory_space<vmem>>, vector<16xf32>,
      tpu.vector_store %arg12[%swap3A_380], %broadcast_in_dim3A_11 {strides = array<i32>} : memref<40960xf32, #tpu.memory_space<vmem>>, vector<16xf32>,
      %mul3A_382 = arith.constant 256 : i32
      %mul3A_383 = arith.muli %scan3A_364, %mul3A_382 : i32
      %add3A_384 = arith.constant 48 : i32
      %add3A_385 = arith.addi %mul3A_383, %add3A_384 : i32
      %swap3A_386 = arith.index_cast %add3A_385 : i32 to index
      %swap3A_387 = tpu.vector_load %arg12[%swap3A_386] {strides = array<i32>} : memref<40960xf32, #tpu.memory_space<vmem>>, vector<16xf32>,
      tpu.vector_store %arg12[%swap3A_386], %broadcast_in_dim3A_11 {strides = array<i32>} : memref<40960xf32, #tpu.memory_space<vmem>>, vector<16xf32>,
      %mul3A_388 = arith.constant 256 : i32
      %mul3A_389 = arith.muli %scan3A_364, %mul3A_388 : i32
      %add3A_390 = arith.constant 64 : i32
      %add3A_391 = arith.addi %mul3A_389, %add3A_390 : i32
      %swap3A_392 = arith.index_cast %add3A_391 : i32 to index
      %swap3A_393 = tpu.vector_load %arg12[%swap3A_392] {strides = array<i32>} : memref<40960xf32, #tpu.memory_space<vmem>>, vector<16xf32>,
      tpu.vector_store %arg12[%swap3A_392], %broadcast_in_dim3A_11 {strides = array<i32>} : memref<40960xf32, #tpu.memory_space<vmem>>, vector<16xf32>,
      %mul3A_394 = arith.constant 256 : i32
      %mul3A_395 = arith.muli %scan3A_364, %mul3A_394 : i32
      %add3A_396 = arith.constant 80 : i32
      %add3A_397 = arith.addi %mul3A_395, %add3A_396 : i32
      %swap3A_398 = arith.index_cast %add3A_397 : i32 to index
      %swap3A_399 = tpu.vector_load %arg12[%swap3A_398] {strides = array<i32>} : memref<40960xf32, #tpu.memory_space<vmem>>, vector<16xf32>,
      tpu.vector_store %arg12[%swap3A_398], %broadcast_in_dim3A_11 {strides = array<i32>} : memref<40960xf32, #tpu.memory_space<vmem>>, vector<16xf32>,
      %mul3A_400 = arith.constant 256 : i32
      %mul3A_401 = arith.muli %scan3A_364, %mul3A_400 : i32
      %add3A_402 = arith.constant 96 : i32
      %add3A_403 = arith.addi %mul3A_401, %add3A_402 : i32
      %swap3A_404 = arith.index_cast %add3A_403 : i32 to index
      %swap3A_405 = tpu.vector_load %arg12[%swap3A_404] {strides = array<i32>} : memref<40960xf32, #tpu.memory_space<vmem>>, vector<16xf32>,
      tpu.vector_store %arg12[%swap3A_404], %broadcast_in_dim3A_11 {strides = array<i32>} : memref<40960xf32, #tpu.memory_space<vmem>>, vector<16xf32>,
      %mul3A_406 = arith.constant 256 : i32
      %mul3A_407 = arith.muli %scan3A_364, %mul3A_406 : i32
      %add3A_408 = arith.constant 112 : i32
      %add3A_409 = arith.addi %mul3A_407, %add3A_408 : i32
      %swap3A_410 = arith.index_cast %add3A_409 : i32 to index
      %swap3A_411 = tpu.vector_load %arg12[%swap3A_410] {strides = array<i32>} : memref<40960xf32, #tpu.memory_space<vmem>>, vector<16xf32>,
      tpu.vector_store %arg12[%swap3A_410], %broadcast_in_dim3A_11 {strides = array<i32>} : memref<40960xf32, #tpu.memory_space<vmem>>, vector<16xf32>,
      %mul3A_412 = arith.constant 256 : i32
      %mul3A_413 = arith.muli %scan3A_364, %mul3A_412 : i32
      %add3A_414 = arith.constant 128 : i32
      %add3A_415 = arith.addi %mul3A_413, %add3A_414 : i32
      %swap3A_416 = arith.index_cast %add3A_415 : i32 to index
      %swap3A_417 = tpu.vector_load %arg12[%swap3A_416] {strides = array<i32>} : memref<40960xf32, #tpu.memory_space<vmem>>, vector<16xf32>,
      tpu.vector_store %arg12[%swap3A_416], %broadcast_in_dim3A_11 {strides = array<i32>} : memref<40960xf32, #tpu.memory_space<vmem>>, vector<16xf32>,
      %mul3A_418 = arith.constant 256 : i32
      %mul3A_419 = arith.muli %scan3A_364, %mul3A_418 : i32
      %add3A_420 = arith.constant 144 : i32
      %add3A_421 = arith.addi %mul3A_419, %add3A_420 : i32
      %swap3A_422 = arith.index_cast %add3A_421 : i32 to index
      %swap3A_423 = tpu.vector_load %arg12[%swap3A_422] {strides = array<i32>} : memref<40960xf32, #tpu.memory_space<vmem>>, vector<16xf32>,
      tpu.vector_store %arg12[%swap3A_422], %broadcast_in_dim3A_11 {strides = array<i32>} : memref<40960xf32, #tpu.memory_space<vmem>>, vector<16xf32>,
      %mul3A_424 = arith.constant 256 : i32
      %mul3A_425 = arith.muli %scan3A_364, %mul3A_424 : i32
      %add3A_426 = arith.constant 160 : i32
      %add3A_427 = arith.addi %mul3A_425, %add3A_426 : i32
      %swap3A_428 = arith.index_cast %add3A_427 : i32 to index
      %swap3A_429 = tpu.vector_load %arg12[%swap3A_428] {strides = array<i32>} : memref<40960xf32, #tpu.memory_space<vmem>>, vector<16xf32>,
      tpu.vector_store %arg12[%swap3A_428], %broadcast_in_dim3A_11 {strides = array<i32>} : memref<40960xf32, #tpu.memory_space<vmem>>, vector<16xf32>,
      %mul3A_430 = arith.constant 256 : i32
      %mul3A_431 = arith.muli %scan3A_364, %mul3A_430 : i32
      %add3A_432 = arith.constant 176 : i32
      %add3A_433 = arith.addi %mul3A_431, %add3A_432 : i32
      %swap3A_434 = arith.index_cast %add3A_433 : i32 to index
      %swap3A_435 = tpu.vector_load %arg12[%swap3A_434] {strides = array<i32>} : memref<40960xf32, #tpu.memory_space<vmem>>, vector<16xf32>,
      tpu.vector_store %arg12[%swap3A_434], %broadcast_in_dim3A_11 {strides = array<i32>} : memref<40960xf32, #tpu.memory_space<vmem>>, vector<16xf32>,
      %mul3A_436 = arith.constant 256 : i32
      %mul3A_437 = arith.muli %scan3A_364, %mul3A_436 : i32
      %add3A_438 = arith.constant 192 : i32
      %add3A_439 = arith.addi %mul3A_437, %add3A_438 : i32
      %swap3A_440 = arith.index_cast %add3A_439 : i32 to index
      %swap3A_441 = tpu.vector_load %arg12[%swap3A_440] {strides = array<i32>} : memref<40960xf32, #tpu.memory_space<vmem>>, vector<16xf32>,
      tpu.vector_store %arg12[%swap3A_440], %broadcast_in_dim3A_11 {strides = array<i32>} : memref<40960xf32, #tpu.memory_space<vmem>>, vector<16xf32>,
      %mul3A_442 = arith.constant 256 : i32
      %mul3A_443 = arith.muli %scan3A_364, %mul3A_442 : i32
      %add3A_444 = arith.constant 208 : i32
      %add3A_445 = arith.addi %mul3A_443, %add3A_444 : i32
      %swap3A_446 = arith.index_cast %add3A_445 : i32 to index
      %swap3A_447 = tpu.vector_load %arg12[%swap3A_446] {strides = array<i32>} : memref<40960xf32, #tpu.memory_space<vmem>>, vector<16xf32>,
      tpu.vector_store %arg12[%swap3A_446], %broadcast_in_dim3A_11 {strides = array<i32>} : memref<40960xf32, #tpu.memory_space<vmem>>, vector<16xf32>,
      %mul3A_448 = arith.constant 256 : i32
      %mul3A_449 = arith.muli %scan3A_364, %mul3A_448 : i32
      %add3A_450 = arith.constant 224 : i32
      %add3A_451 = arith.addi %mul3A_449, %add3A_450 : i32
      %swap3A_452 = arith.index_cast %add3A_451 : i32 to index
      %swap3A_453 = tpu.vector_load %arg12[%swap3A_452] {strides = array<i32>} : memref<40960xf32, #tpu.memory_space<vmem>>, vector<16xf32>,
      tpu.vector_store %arg12[%swap3A_452], %broadcast_in_dim3A_11 {strides = array<i32>} : memref<40960xf32, #tpu.memory_space<vmem>>, vector<16xf32>,
      %mul3A_454 = arith.constant 256 : i32
      %mul3A_455 = arith.muli %scan3A_364, %mul3A_454 : i32
      %add3A_456 = arith.constant 240 : i32
      %add3A_457 = arith.addi %mul3A_455, %add3A_456 : i32
      %swap3A_458 = arith.index_cast %add3A_457 : i32 to index
      %swap3A_459 = tpu.vector_load %arg12[%swap3A_458] {strides = array<i32>} : memref<40960xf32, #tpu.memory_space<vmem>>, vector<16xf32>,
      tpu.vector_store %arg12[%swap3A_458], %broadcast_in_dim3A_11 {strides = array<i32>} : memref<40960xf32, #tpu.memory_space<vmem>>, vector<16xf32>,
    }
    %scan3A_20 = arith.constant 160 : i32
    %scan3A_21 = arith.constant 0 : i32
    %scan3A_22 = arith.constant 0 : i32
    %scan3A_23 = arith.constant 40 : i32
    %scan3A_24 = arith.addi %scan3A_22, %scan3A_23 : i32
    %scan3A_25 = arith.constant 1 : i32
    scf.for %scan3A_364 = %scan3A_22 to %scan3A_24 step %scan3A_25  : i32 {
      %mul3A_365 = arith.constant 256 : i32
      %mul3A_366 = arith.muli %scan3A_364, %mul3A_365 : i32
      %add3A_367 = arith.constant 0 : i32
      %add3A_368 = arith.addi %mul3A_366, %add3A_367 : i32
      %swap3A = arith.index_cast %add3A_368 : i32 to index
      %swap3A_369 = tpu.vector_load %arg14[%swap3A] {strides = array<i32>} : memref<10240xi32, #tpu.memory_space<vmem>>, vector<16xi32>,
      tpu.vector_store %arg14[%swap3A], %broadcast_in_dim3A_13 {strides = array<i32>} : memref<10240xi32, #tpu.memory_space<vmem>>, vector<16xi32>,
      %mul3A_370 = arith.constant 256 : i32
      %mul3A_371 = arith.muli %scan3A_364, %mul3A_370 : i32
      %add3A_372 = arith.constant 16 : i32
      %add3A_373 = arith.addi %mul3A_371, %add3A_372 : i32
      %swap3A_374 = arith.index_cast %add3A_373 : i32 to index
      %swap3A_375 = tpu.vector_load %arg14[%swap3A_374] {strides = array<i32>} : memref<10240xi32, #tpu.memory_space<vmem>>, vector<16xi32>,
      tpu.vector_store %arg14[%swap3A_374], %broadcast_in_dim3A_13 {strides = array<i32>} : memref<10240xi32, #tpu.memory_space<vmem>>, vector<16xi32>,
      %mul3A_376 = arith.constant 256 : i32
      %mul3A_377 = arith.muli %scan3A_364, %mul3A_376 : i32
      %add3A_378 = arith.constant 32 : i32
      %add3A_379 = arith.addi %mul3A_377, %add3A_378 : i32
      %swap3A_380 = arith.index_cast %add3A_379 : i32 to index
      %swap3A_381 = tpu.vector_load %arg14[%swap3A_380] {strides = array<i32>} : memref<10240xi32, #tpu.memory_space<vmem>>, vector<16xi32>,
      tpu.vector_store %arg14[%swap3A_380], %broadcast_in_dim3A_13 {strides = array<i32>} : memref<10240xi32, #tpu.memory_space<vmem>>, vector<16xi32>,
      %mul3A_382 = arith.constant 256 : i32
      %mul3A_383 = arith.muli %scan3A_364, %mul3A_382 : i32
      %add3A_384 = arith.constant 48 : i32
      %add3A_385 = arith.addi %mul3A_383, %add3A_384 : i32
      %swap3A_386 = arith.index_cast %add3A_385 : i32 to index
      %swap3A_387 = tpu.vector_load %arg14[%swap3A_386] {strides = array<i32>} : memref<10240xi32, #tpu.memory_space<vmem>>, vector<16xi32>,
      tpu.vector_store %arg14[%swap3A_386], %broadcast_in_dim3A_13 {strides = array<i32>} : memref<10240xi32, #tpu.memory_space<vmem>>, vector<16xi32>,
      %mul3A_388 = arith.constant 256 : i32
      %mul3A_389 = arith.muli %scan3A_364, %mul3A_388 : i32
      %add3A_390 = arith.constant 64 : i32
      %add3A_391 = arith.addi %mul3A_389, %add3A_390 : i32
      %swap3A_392 = arith.index_cast %add3A_391 : i32 to index
      %swap3A_393 = tpu.vector_load %arg14[%swap3A_392] {strides = array<i32>} : memref<10240xi32, #tpu.memory_space<vmem>>, vector<16xi32>,
      tpu.vector_store %arg14[%swap3A_392], %broadcast_in_dim3A_13 {strides = array<i32>} : memref<10240xi32, #tpu.memory_space<vmem>>, vector<16xi32>,
      %mul3A_394 = arith.constant 256 : i32
      %mul3A_395 = arith.muli %scan3A_364, %mul3A_394 : i32
      %add3A_396 = arith.constant 80 : i32
      %add3A_397 = arith.addi %mul3A_395, %add3A_396 : i32
      %swap3A_398 = arith.index_cast %add3A_397 : i32 to index
      %swap3A_399 = tpu.vector_load %arg14[%swap3A_398] {strides = array<i32>} : memref<10240xi32, #tpu.memory_space<vmem>>, vector<16xi32>,
      tpu.vector_store %arg14[%swap3A_398], %broadcast_in_dim3A_13 {strides = array<i32>} : memref<10240xi32, #tpu.memory_space<vmem>>, vector<16xi32>,
      %mul3A_400 = arith.constant 256 : i32
      %mul3A_401 = arith.muli %scan3A_364, %mul3A_400 : i32
      %add3A_402 = arith.constant 96 : i32
      %add3A_403 = arith.addi %mul3A_401, %add3A_402 : i32
      %swap3A_404 = arith.index_cast %add3A_403 : i32 to index
      %swap3A_405 = tpu.vector_load %arg14[%swap3A_404] {strides = array<i32>} : memref<10240xi32, #tpu.memory_space<vmem>>, vector<16xi32>,
      tpu.vector_store %arg14[%swap3A_404], %broadcast_in_dim3A_13 {strides = array<i32>} : memref<10240xi32, #tpu.memory_space<vmem>>, vector<16xi32>,
      %mul3A_406 = arith.constant 256 : i32
      %mul3A_407 = arith.muli %scan3A_364, %mul3A_406 : i32
      %add3A_408 = arith.constant 112 : i32
      %add3A_409 = arith.addi %mul3A_407, %add3A_408 : i32
      %swap3A_410 = arith.index_cast %add3A_409 : i32 to index
      %swap3A_411 = tpu.vector_load %arg14[%swap3A_410] {strides = array<i32>} : memref<10240xi32, #tpu.memory_space<vmem>>, vector<16xi32>,
      tpu.vector_store %arg14[%swap3A_410], %broadcast_in_dim3A_13 {strides = array<i32>} : memref<10240xi32, #tpu.memory_space<vmem>>, vector<16xi32>,
      %mul3A_412 = arith.constant 256 : i32
      %mul3A_413 = arith.muli %scan3A_364, %mul3A_412 : i32
      %add3A_414 = arith.constant 128 : i32
      %add3A_415 = arith.addi %mul3A_413, %add3A_414 : i32
      %swap3A_416 = arith.index_cast %add3A_415 : i32 to index
      %swap3A_417 = tpu.vector_load %arg14[%swap3A_416] {strides = array<i32>} : memref<10240xi32, #tpu.memory_space<vmem>>, vector<16xi32>,
      tpu.vector_store %arg14[%swap3A_416], %broadcast_in_dim3A_13 {strides = array<i32>} : memref<10240xi32, #tpu.memory_space<vmem>>, vector<16xi32>,
      %mul3A_418 = arith.constant 256 : i32
      %mul3A_419 = arith.muli %scan3A_364, %mul3A_418 : i32
      %add3A_420 = arith.constant 144 : i32
      %add3A_421 = arith.addi %mul3A_419, %add3A_420 : i32
      %swap3A_422 = arith.index_cast %add3A_421 : i32 to index
      %swap3A_423 = tpu.vector_load %arg14[%swap3A_422] {strides = array<i32>} : memref<10240xi32, #tpu.memory_space<vmem>>, vector<16xi32>,
      tpu.vector_store %arg14[%swap3A_422], %broadcast_in_dim3A_13 {strides = array<i32>} : memref<10240xi32, #tpu.memory_space<vmem>>, vector<16xi32>,
      %mul3A_424 = arith.constant 256 : i32
      %mul3A_425 = arith.muli %scan3A_364, %mul3A_424 : i32
      %add3A_426 = arith.constant 160 : i32
      %add3A_427 = arith.addi %mul3A_425, %add3A_426 : i32
      %swap3A_428 = arith.index_cast %add3A_427 : i32 to index
      %swap3A_429 = tpu.vector_load %arg14[%swap3A_428] {strides = array<i32>} : memref<10240xi32, #tpu.memory_space<vmem>>, vector<16xi32>,
      tpu.vector_store %arg14[%swap3A_428], %broadcast_in_dim3A_13 {strides = array<i32>} : memref<10240xi32, #tpu.memory_space<vmem>>, vector<16xi32>,
      %mul3A_430 = arith.constant 256 : i32
      %mul3A_431 = arith.muli %scan3A_364, %mul3A_430 : i32
      %add3A_432 = arith.constant 176 : i32
      %add3A_433 = arith.addi %mul3A_431, %add3A_432 : i32
      %swap3A_434 = arith.index_cast %add3A_433 : i32 to index
      %swap3A_435 = tpu.vector_load %arg14[%swap3A_434] {strides = array<i32>} : memref<10240xi32, #tpu.memory_space<vmem>>, vector<16xi32>,
      tpu.vector_store %arg14[%swap3A_434], %broadcast_in_dim3A_13 {strides = array<i32>} : memref<10240xi32, #tpu.memory_space<vmem>>, vector<16xi32>,
      %mul3A_436 = arith.constant 256 : i32
      %mul3A_437 = arith.muli %scan3A_364, %mul3A_436 : i32
      %add3A_438 = arith.constant 192 : i32
      %add3A_439 = arith.addi %mul3A_437, %add3A_438 : i32
      %swap3A_440 = arith.index_cast %add3A_439 : i32 to index
      %swap3A_441 = tpu.vector_load %arg14[%swap3A_440] {strides = array<i32>} : memref<10240xi32, #tpu.memory_space<vmem>>, vector<16xi32>,
      tpu.vector_store %arg14[%swap3A_440], %broadcast_in_dim3A_13 {strides = array<i32>} : memref<10240xi32, #tpu.memory_space<vmem>>, vector<16xi32>,
      %mul3A_442 = arith.constant 256 : i32
      %mul3A_443 = arith.muli %scan3A_364, %mul3A_442 : i32
      %add3A_444 = arith.constant 208 : i32
      %add3A_445 = arith.addi %mul3A_443, %add3A_444 : i32
      %swap3A_446 = arith.index_cast %add3A_445 : i32 to index
      %swap3A_447 = tpu.vector_load %arg14[%swap3A_446] {strides = array<i32>} : memref<10240xi32, #tpu.memory_space<vmem>>, vector<16xi32>,
      tpu.vector_store %arg14[%swap3A_446], %broadcast_in_dim3A_13 {strides = array<i32>} : memref<10240xi32, #tpu.memory_space<vmem>>, vector<16xi32>,
      %mul3A_448 = arith.constant 256 : i32
      %mul3A_449 = arith.muli %scan3A_364, %mul3A_448 : i32
      %add3A_450 = arith.constant 224 : i32
      %add3A_451 = arith.addi %mul3A_449, %add3A_450 : i32
      %swap3A_452 = arith.index_cast %add3A_451 : i32 to index
      %swap3A_453 = tpu.vector_load %arg14[%swap3A_452] {strides = array<i32>} : memref<10240xi32, #tpu.memory_space<vmem>>, vector<16xi32>,
      tpu.vector_store %arg14[%swap3A_452], %broadcast_in_dim3A_13 {strides = array<i32>} : memref<10240xi32, #tpu.memory_space<vmem>>, vector<16xi32>,
      %mul3A_454 = arith.constant 256 : i32
      %mul3A_455 = arith.muli %scan3A_364, %mul3A_454 : i32
      %add3A_456 = arith.constant 240 : i32
      %add3A_457 = arith.addi %mul3A_455, %add3A_456 : i32
      %swap3A_458 = arith.index_cast %add3A_457 : i32 to index
      %swap3A_459 = tpu.vector_load %arg14[%swap3A_458] {strides = array<i32>} : memref<10240xi32, #tpu.memory_space<vmem>>, vector<16xi32>,
      tpu.vector_store %arg14[%swap3A_458], %broadcast_in_dim3A_13 {strides = array<i32>} : memref<10240xi32, #tpu.memory_space<vmem>>, vector<16xi32>,
    }
    %scan3A_26 = arith.constant 40 : i32
    %mul3A_27 = arith.constant 5120 : i32
    %mul3A_28 = vector.broadcast %mul3A_27 : i32 to vector<16xi32>
    %mul3A_29 = arith.muli %shift_right_arithmetic3A_15, %mul3A_28 : vector<16xi32>
    %get3A = arith.constant 0 : index
    %get3A_30 = tpu.vector_load %arg8[%get3A] {strides = array<i32>} : memref<128xi32, #tpu.memory_space<vmem>>, vector<16xi32>,
    %add3A_31 = arith.addi %mul3A_29, %get3A_30 : vector<16xi32>
    %get3A_32 = arith.constant 0 : index
    %get3A_33 = tpu.vector_load %arg10[%get3A_32] {strides = array<i32>} : memref<128xf32, #tpu.memory_space<vmem>>, vector<16xf32>,
    tpu.vector_store_idx %arg12[%add3A_31], %get3A_33 : memref<40960xf32, #tpu.memory_space<vmem>>[vector<16xi32>], vector<16xf32>,
    %mul3A_34 = arith.constant 1280 : i32
    %mul3A_35 = vector.broadcast %mul3A_34 : i32 to vector<16xi32>
    %mul3A_36 = arith.muli %shift_right_arithmetic3A_15, %mul3A_35 : vector<16xi32>
    %get3A_37 = arith.constant 0 : index
    %get3A_38 = tpu.vector_load %arg9[%get3A_37] {strides = array<i32>} : memref<128xi32, #tpu.memory_space<vmem>>, vector<16xi32>,
    %add3A_39 = arith.addi %mul3A_36, %get3A_38 : vector<16xi32>
    %get3A_40 = arith.constant 0 : index
    %get3A_41 = tpu.vector_load %arg11[%get3A_40] {strides = array<i32>} : memref<128xi32, #tpu.memory_space<vmem>>, vector<16xi32>,
    tpu.vector_store_idx %arg14[%add3A_39], %get3A_41 : memref<10240xi32, #tpu.memory_space<vmem>>[vector<16xi32>], vector<16xi32>,
    %add3A_42 = arith.constant 0 : i32
    %add3A_43 = arith.addi %mul3A_2, %add3A_42 : i32
    %mul3A_44 = arith.constant 5120 : i32
    %mul3A_45 = arith.muli %add3A_43, %mul3A_44 : i32
    %dma_start3A = tpu.memref_slice %arg6[%mul3A_45] : memref<10485760xf32, #tpu.memory_space<hbm>> -> memref<40960xf32, #tpu.memory_space<hbm>>
    %dma_start3A_46 = tpu.memref_slice %arg6[%mul3A_45] : memref<10485760xf32, #tpu.memory_space<hbm>> -> memref<40960xf32, #tpu.memory_space<hbm>>
    tpu.enqueue_dma source(%arg12 : memref<40960xf32, #tpu.memory_space<vmem>>) target(%dma_start3A_46 : memref<40960xf32, #tpu.memory_space<hbm>>) target_semaphore(%arg16 : memref<!tpu.dma_semaphore, #tpu.memory_space<semaphore_mem>>)
    %add3A_47 = arith.constant 0 : i32
    %add3A_48 = arith.addi %mul3A_2, %add3A_47 : i32
    %mul3A_49 = arith.constant 1280 : i32
    %mul3A_50 = arith.muli %add3A_48, %mul3A_49 : i32
    %dma_start3A_51 = tpu.memref_slice %arg7[%mul3A_50] : memref<2621440xi32, #tpu.memory_space<hbm>> -> memref<10240xi32, #tpu.memory_space<hbm>>
    %dma_start3A_52 = tpu.memref_slice %arg7[%mul3A_50] : memref<2621440xi32, #tpu.memory_space<hbm>> -> memref<10240xi32, #tpu.memory_space<hbm>>
    tpu.enqueue_dma source(%arg14 : memref<10240xi32, #tpu.memory_space<vmem>>) target(%dma_start3A_52 : memref<10240xi32, #tpu.memory_space<hbm>>) target_semaphore(%arg18 : memref<!tpu.dma_semaphore, #tpu.memory_space<semaphore_mem>>)
    %scan3A_53 = arith.constant 0 : i32
    %scan3A_54 = arith.constant 0 : i32
    %scan3A_55 = arith.constant 160 : i32
    %scan3A_56 = arith.addi %scan3A_54, %scan3A_55 : i32
    %scan3A_57 = arith.constant 1 : i32
    scf.for %scan3A_364 = %scan3A_54 to %scan3A_56 step %scan3A_57  : i32 {
      %mul3A_365 = arith.constant 256 : i32
      %mul3A_366 = arith.muli %scan3A_364, %mul3A_365 : i32
      %add3A_367 = arith.constant 0 : i32
      %add3A_368 = arith.addi %mul3A_366, %add3A_367 : i32
      %swap3A = arith.index_cast %add3A_368 : i32 to index
      %swap3A_369 = tpu.vector_load %arg13[%swap3A] {strides = array<i32>} : memref<40960xf32, #tpu.memory_space<vmem>>, vector<16xf32>,
      tpu.vector_store %arg13[%swap3A], %broadcast_in_dim3A_11 {strides = array<i32>} : memref<40960xf32, #tpu.memory_space<vmem>>, vector<16xf32>,
      %mul3A_370 = arith.constant 256 : i32
      %mul3A_371 = arith.muli %scan3A_364, %mul3A_370 : i32
      %add3A_372 = arith.constant 16 : i32
      %add3A_373 = arith.addi %mul3A_371, %add3A_372 : i32
      %swap3A_374 = arith.index_cast %add3A_373 : i32 to index
      %swap3A_375 = tpu.vector_load %arg13[%swap3A_374] {strides = array<i32>} : memref<40960xf32, #tpu.memory_space<vmem>>, vector<16xf32>,
      tpu.vector_store %arg13[%swap3A_374], %broadcast_in_dim3A_11 {strides = array<i32>} : memref<40960xf32, #tpu.memory_space<vmem>>, vector<16xf32>,
      %mul3A_376 = arith.constant 256 : i32
      %mul3A_377 = arith.muli %scan3A_364, %mul3A_376 : i32
      %add3A_378 = arith.constant 32 : i32
      %add3A_379 = arith.addi %mul3A_377, %add3A_378 : i32
      %swap3A_380 = arith.index_cast %add3A_379 : i32 to index
      %swap3A_381 = tpu.vector_load %arg13[%swap3A_380] {strides = array<i32>} : memref<40960xf32, #tpu.memory_space<vmem>>, vector<16xf32>,
      tpu.vector_store %arg13[%swap3A_380], %broadcast_in_dim3A_11 {strides = array<i32>} : memref<40960xf32, #tpu.memory_space<vmem>>, vector<16xf32>,
      %mul3A_382 = arith.constant 256 : i32
      %mul3A_383 = arith.muli %scan3A_364, %mul3A_382 : i32
      %add3A_384 = arith.constant 48 : i32
      %add3A_385 = arith.addi %mul3A_383, %add3A_384 : i32
      %swap3A_386 = arith.index_cast %add3A_385 : i32 to index
      %swap3A_387 = tpu.vector_load %arg13[%swap3A_386] {strides = array<i32>} : memref<40960xf32, #tpu.memory_space<vmem>>, vector<16xf32>,
      tpu.vector_store %arg13[%swap3A_386], %broadcast_in_dim3A_11 {strides = array<i32>} : memref<40960xf32, #tpu.memory_space<vmem>>, vector<16xf32>,
      %mul3A_388 = arith.constant 256 : i32
      %mul3A_389 = arith.muli %scan3A_364, %mul3A_388 : i32
      %add3A_390 = arith.constant 64 : i32
      %add3A_391 = arith.addi %mul3A_389, %add3A_390 : i32
      %swap3A_392 = arith.index_cast %add3A_391 : i32 to index
      %swap3A_393 = tpu.vector_load %arg13[%swap3A_392] {strides = array<i32>} : memref<40960xf32, #tpu.memory_space<vmem>>, vector<16xf32>,
      tpu.vector_store %arg13[%swap3A_392], %broadcast_in_dim3A_11 {strides = array<i32>} : memref<40960xf32, #tpu.memory_space<vmem>>, vector<16xf32>,
      %mul3A_394 = arith.constant 256 : i32
      %mul3A_395 = arith.muli %scan3A_364, %mul3A_394 : i32
      %add3A_396 = arith.constant 80 : i32
      %add3A_397 = arith.addi %mul3A_395, %add3A_396 : i32
      %swap3A_398 = arith.index_cast %add3A_397 : i32 to index
      %swap3A_399 = tpu.vector_load %arg13[%swap3A_398] {strides = array<i32>} : memref<40960xf32, #tpu.memory_space<vmem>>, vector<16xf32>,
      tpu.vector_store %arg13[%swap3A_398], %broadcast_in_dim3A_11 {strides = array<i32>} : memref<40960xf32, #tpu.memory_space<vmem>>, vector<16xf32>,
      %mul3A_400 = arith.constant 256 : i32
      %mul3A_401 = arith.muli %scan3A_364, %mul3A_400 : i32
      %add3A_402 = arith.constant 96 : i32
      %add3A_403 = arith.addi %mul3A_401, %add3A_402 : i32
      %swap3A_404 = arith.index_cast %add3A_403 : i32 to index
      %swap3A_405 = tpu.vector_load %arg13[%swap3A_404] {strides = array<i32>} : memref<40960xf32, #tpu.memory_space<vmem>>, vector<16xf32>,
      tpu.vector_store %arg13[%swap3A_404], %broadcast_in_dim3A_11 {strides = array<i32>} : memref<40960xf32, #tpu.memory_space<vmem>>, vector<16xf32>,
      %mul3A_406 = arith.constant 256 : i32
      %mul3A_407 = arith.muli %scan3A_364, %mul3A_406 : i32
      %add3A_408 = arith.constant 112 : i32
      %add3A_409 = arith.addi %mul3A_407, %add3A_408 : i32
      %swap3A_410 = arith.index_cast %add3A_409 : i32 to index
      %swap3A_411 = tpu.vector_load %arg13[%swap3A_410] {strides = array<i32>} : memref<40960xf32, #tpu.memory_space<vmem>>, vector<16xf32>,
      tpu.vector_store %arg13[%swap3A_410], %broadcast_in_dim3A_11 {strides = array<i32>} : memref<40960xf32, #tpu.memory_space<vmem>>, vector<16xf32>,
      %mul3A_412 = arith.constant 256 : i32
      %mul3A_413 = arith.muli %scan3A_364, %mul3A_412 : i32
      %add3A_414 = arith.constant 128 : i32
      %add3A_415 = arith.addi %mul3A_413, %add3A_414 : i32
      %swap3A_416 = arith.index_cast %add3A_415 : i32 to index
      %swap3A_417 = tpu.vector_load %arg13[%swap3A_416] {strides = array<i32>} : memref<40960xf32, #tpu.memory_space<vmem>>, vector<16xf32>,
      tpu.vector_store %arg13[%swap3A_416], %broadcast_in_dim3A_11 {strides = array<i32>} : memref<40960xf32, #tpu.memory_space<vmem>>, vector<16xf32>,
      %mul3A_418 = arith.constant 256 : i32
      %mul3A_419 = arith.muli %scan3A_364, %mul3A_418 : i32
      %add3A_420 = arith.constant 144 : i32
      %add3A_421 = arith.addi %mul3A_419, %add3A_420 : i32
      %swap3A_422 = arith.index_cast %add3A_421 : i32 to index
      %swap3A_423 = tpu.vector_load %arg13[%swap3A_422] {strides = array<i32>} : memref<40960xf32, #tpu.memory_space<vmem>>, vector<16xf32>,
      tpu.vector_store %arg13[%swap3A_422], %broadcast_in_dim3A_11 {strides = array<i32>} : memref<40960xf32, #tpu.memory_space<vmem>>, vector<16xf32>,
      %mul3A_424 = arith.constant 256 : i32
      %mul3A_425 = arith.muli %scan3A_364, %mul3A_424 : i32
      %add3A_426 = arith.constant 160 : i32
      %add3A_427 = arith.addi %mul3A_425, %add3A_426 : i32
      %swap3A_428 = arith.index_cast %add3A_427 : i32 to index
      %swap3A_429 = tpu.vector_load %arg13[%swap3A_428] {strides = array<i32>} : memref<40960xf32, #tpu.memory_space<vmem>>, vector<16xf32>,
      tpu.vector_store %arg13[%swap3A_428], %broadcast_in_dim3A_11 {strides = array<i32>} : memref<40960xf32, #tpu.memory_space<vmem>>, vector<16xf32>,
      %mul3A_430 = arith.constant 256 : i32
      %mul3A_431 = arith.muli %scan3A_364, %mul3A_430 : i32
      %add3A_432 = arith.constant 176 : i32
      %add3A_433 = arith.addi %mul3A_431, %add3A_432 : i32
      %swap3A_434 = arith.index_cast %add3A_433 : i32 to index
      %swap3A_435 = tpu.vector_load %arg13[%swap3A_434] {strides = array<i32>} : memref<40960xf32, #tpu.memory_space<vmem>>, vector<16xf32>,
      tpu.vector_store %arg13[%swap3A_434], %broadcast_in_dim3A_11 {strides = array<i32>} : memref<40960xf32, #tpu.memory_space<vmem>>, vector<16xf32>,
      %mul3A_436 = arith.constant 256 : i32
      %mul3A_437 = arith.muli %scan3A_364, %mul3A_436 : i32
      %add3A_438 = arith.constant 192 : i32
      %add3A_439 = arith.addi %mul3A_437, %add3A_438 : i32
      %swap3A_440 = arith.index_cast %add3A_439 : i32 to index
      %swap3A_441 = tpu.vector_load %arg13[%swap3A_440] {strides = array<i32>} : memref<40960xf32, #tpu.memory_space<vmem>>, vector<16xf32>,
      tpu.vector_store %arg13[%swap3A_440], %broadcast_in_dim3A_11 {strides = array<i32>} : memref<40960xf32, #tpu.memory_space<vmem>>, vector<16xf32>,
      %mul3A_442 = arith.constant 256 : i32
      %mul3A_443 = arith.muli %scan3A_364, %mul3A_442 : i32
      %add3A_444 = arith.constant 208 : i32
      %add3A_445 = arith.addi %mul3A_443, %add3A_444 : i32
      %swap3A_446 = arith.index_cast %add3A_445 : i32 to index
      %swap3A_447 = tpu.vector_load %arg13[%swap3A_446] {strides = array<i32>} : memref<40960xf32, #tpu.memory_space<vmem>>, vector<16xf32>,
      tpu.vector_store %arg13[%swap3A_446], %broadcast_in_dim3A_11 {strides = array<i32>} : memref<40960xf32, #tpu.memory_space<vmem>>, vector<16xf32>,
      %mul3A_448 = arith.constant 256 : i32
      %mul3A_449 = arith.muli %scan3A_364, %mul3A_448 : i32
      %add3A_450 = arith.constant 224 : i32
      %add3A_451 = arith.addi %mul3A_449, %add3A_450 : i32
      %swap3A_452 = arith.index_cast %add3A_451 : i32 to index
      %swap3A_453 = tpu.vector_load %arg13[%swap3A_452] {strides = array<i32>} : memref<40960xf32, #tpu.memory_space<vmem>>, vector<16xf32>,
      tpu.vector_store %arg13[%swap3A_452], %broadcast_in_dim3A_11 {strides = array<i32>} : memref<40960xf32, #tpu.memory_space<vmem>>, vector<16xf32>,
      %mul3A_454 = arith.constant 256 : i32
      %mul3A_455 = arith.muli %scan3A_364, %mul3A_454 : i32
      %add3A_456 = arith.constant 240 : i32
      %add3A_457 = arith.addi %mul3A_455, %add3A_456 : i32
      %swap3A_458 = arith.index_cast %add3A_457 : i32 to index
      %swap3A_459 = tpu.vector_load %arg13[%swap3A_458] {strides = array<i32>} : memref<40960xf32, #tpu.memory_space<vmem>>, vector<16xf32>,
      tpu.vector_store %arg13[%swap3A_458], %broadcast_in_dim3A_11 {strides = array<i32>} : memref<40960xf32, #tpu.memory_space<vmem>>, vector<16xf32>,
    }
    %scan3A_58 = arith.constant 160 : i32
    %scan3A_59 = arith.constant 0 : i32
    %scan3A_60 = arith.constant 0 : i32
    %scan3A_61 = arith.constant 40 : i32
    %scan3A_62 = arith.addi %scan3A_60, %scan3A_61 : i32
    %scan3A_63 = arith.constant 1 : i32
    scf.for %scan3A_364 = %scan3A_60 to %scan3A_62 step %scan3A_63  : i32 {
      %mul3A_365 = arith.constant 256 : i32
      %mul3A_366 = arith.muli %scan3A_364, %mul3A_365 : i32
      %add3A_367 = arith.constant 0 : i32
      %add3A_368 = arith.addi %mul3A_366, %add3A_367 : i32
      %swap3A = arith.index_cast %add3A_368 : i32 to index
      %swap3A_369 = tpu.vector_load %arg15[%swap3A] {strides = array<i32>} : memref<10240xi32, #tpu.memory_space<vmem>>, vector<16xi32>,
      tpu.vector_store %arg15[%swap3A], %broadcast_in_dim3A_13 {strides = array<i32>} : memref<10240xi32, #tpu.memory_space<vmem>>, vector<16xi32>,
      %mul3A_370 = arith.constant 256 : i32
      %mul3A_371 = arith.muli %scan3A_364, %mul3A_370 : i32
      %add3A_372 = arith.constant 16 : i32
      %add3A_373 = arith.addi %mul3A_371, %add3A_372 : i32
      %swap3A_374 = arith.index_cast %add3A_373 : i32 to index
      %swap3A_375 = tpu.vector_load %arg15[%swap3A_374] {strides = array<i32>} : memref<10240xi32, #tpu.memory_space<vmem>>, vector<16xi32>,
      tpu.vector_store %arg15[%swap3A_374], %broadcast_in_dim3A_13 {strides = array<i32>} : memref<10240xi32, #tpu.memory_space<vmem>>, vector<16xi32>,
      %mul3A_376 = arith.constant 256 : i32
      %mul3A_377 = arith.muli %scan3A_364, %mul3A_376 : i32
      %add3A_378 = arith.constant 32 : i32
      %add3A_379 = arith.addi %mul3A_377, %add3A_378 : i32
      %swap3A_380 = arith.index_cast %add3A_379 : i32 to index
      %swap3A_381 = tpu.vector_load %arg15[%swap3A_380] {strides = array<i32>} : memref<10240xi32, #tpu.memory_space<vmem>>, vector<16xi32>,
      tpu.vector_store %arg15[%swap3A_380], %broadcast_in_dim3A_13 {strides = array<i32>} : memref<10240xi32, #tpu.memory_space<vmem>>, vector<16xi32>,
      %mul3A_382 = arith.constant 256 : i32
      %mul3A_383 = arith.muli %scan3A_364, %mul3A_382 : i32
      %add3A_384 = arith.constant 48 : i32
      %add3A_385 = arith.addi %mul3A_383, %add3A_384 : i32
      %swap3A_386 = arith.index_cast %add3A_385 : i32 to index
      %swap3A_387 = tpu.vector_load %arg15[%swap3A_386] {strides = array<i32>} : memref<10240xi32, #tpu.memory_space<vmem>>, vector<16xi32>,
      tpu.vector_store %arg15[%swap3A_386], %broadcast_in_dim3A_13 {strides = array<i32>} : memref<10240xi32, #tpu.memory_space<vmem>>, vector<16xi32>,
      %mul3A_388 = arith.constant 256 : i32
      %mul3A_389 = arith.muli %scan3A_364, %mul3A_388 : i32
      %add3A_390 = arith.constant 64 : i32
      %add3A_391 = arith.addi %mul3A_389, %add3A_390 : i32
      %swap3A_392 = arith.index_cast %add3A_391 : i32 to index
      %swap3A_393 = tpu.vector_load %arg15[%swap3A_392] {strides = array<i32>} : memref<10240xi32, #tpu.memory_space<vmem>>, vector<16xi32>,
      tpu.vector_store %arg15[%swap3A_392], %broadcast_in_dim3A_13 {strides = array<i32>} : memref<10240xi32, #tpu.memory_space<vmem>>, vector<16xi32>,
      %mul3A_394 = arith.constant 256 : i32
      %mul3A_395 = arith.muli %scan3A_364, %mul3A_394 : i32
      %add3A_396 = arith.constant 80 : i32
      %add3A_397 = arith.addi %mul3A_395, %add3A_396 : i32
      %swap3A_398 = arith.index_cast %add3A_397 : i32 to index
      %swap3A_399 = tpu.vector_load %arg15[%swap3A_398] {strides = array<i32>} : memref<10240xi32, #tpu.memory_space<vmem>>, vector<16xi32>,
      tpu.vector_store %arg15[%swap3A_398], %broadcast_in_dim3A_13 {strides = array<i32>} : memref<10240xi32, #tpu.memory_space<vmem>>, vector<16xi32>,
      %mul3A_400 = arith.constant 256 : i32
      %mul3A_401 = arith.muli %scan3A_364, %mul3A_400 : i32
      %add3A_402 = arith.constant 96 : i32
      %add3A_403 = arith.addi %mul3A_401, %add3A_402 : i32
      %swap3A_404 = arith.index_cast %add3A_403 : i32 to index
      %swap3A_405 = tpu.vector_load %arg15[%swap3A_404] {strides = array<i32>} : memref<10240xi32, #tpu.memory_space<vmem>>, vector<16xi32>,
      tpu.vector_store %arg15[%swap3A_404], %broadcast_in_dim3A_13 {strides = array<i32>} : memref<10240xi32, #tpu.memory_space<vmem>>, vector<16xi32>,
      %mul3A_406 = arith.constant 256 : i32
      %mul3A_407 = arith.muli %scan3A_364, %mul3A_406 : i32
      %add3A_408 = arith.constant 112 : i32
      %add3A_409 = arith.addi %mul3A_407, %add3A_408 : i32
      %swap3A_410 = arith.index_cast %add3A_409 : i32 to index
      %swap3A_411 = tpu.vector_load %arg15[%swap3A_410] {strides = array<i32>} : memref<10240xi32, #tpu.memory_space<vmem>>, vector<16xi32>,
      tpu.vector_store %arg15[%swap3A_410], %broadcast_in_dim3A_13 {strides = array<i32>} : memref<10240xi32, #tpu.memory_space<vmem>>, vector<16xi32>,
      %mul3A_412 = arith.constant 256 : i32
      %mul3A_413 = arith.muli %scan3A_364, %mul3A_412 : i32
      %add3A_414 = arith.constant 128 : i32
      %add3A_415 = arith.addi %mul3A_413, %add3A_414 : i32
      %swap3A_416 = arith.index_cast %add3A_415 : i32 to index
      %swap3A_417 = tpu.vector_load %arg15[%swap3A_416] {strides = array<i32>} : memref<10240xi32, #tpu.memory_space<vmem>>, vector<16xi32>,
      tpu.vector_store %arg15[%swap3A_416], %broadcast_in_dim3A_13 {strides = array<i32>} : memref<10240xi32, #tpu.memory_space<vmem>>, vector<16xi32>,
      %mul3A_418 = arith.constant 256 : i32
      %mul3A_419 = arith.muli %scan3A_364, %mul3A_418 : i32
      %add3A_420 = arith.constant 144 : i32
      %add3A_421 = arith.addi %mul3A_419, %add3A_420 : i32
      %swap3A_422 = arith.index_cast %add3A_421 : i32 to index
      %swap3A_423 = tpu.vector_load %arg15[%swap3A_422] {strides = array<i32>} : memref<10240xi32, #tpu.memory_space<vmem>>, vector<16xi32>,
      tpu.vector_store %arg15[%swap3A_422], %broadcast_in_dim3A_13 {strides = array<i32>} : memref<10240xi32, #tpu.memory_space<vmem>>, vector<16xi32>,
      %mul3A_424 = arith.constant 256 : i32
      %mul3A_425 = arith.muli %scan3A_364, %mul3A_424 : i32
      %add3A_426 = arith.constant 160 : i32
      %add3A_427 = arith.addi %mul3A_425, %add3A_426 : i32
      %swap3A_428 = arith.index_cast %add3A_427 : i32 to index
      %swap3A_429 = tpu.vector_load %arg15[%swap3A_428] {strides = array<i32>} : memref<10240xi32, #tpu.memory_space<vmem>>, vector<16xi32>,
      tpu.vector_store %arg15[%swap3A_428], %broadcast_in_dim3A_13 {strides = array<i32>} : memref<10240xi32, #tpu.memory_space<vmem>>, vector<16xi32>,
      %mul3A_430 = arith.constant 256 : i32
      %mul3A_431 = arith.muli %scan3A_364, %mul3A_430 : i32
      %add3A_432 = arith.constant 176 : i32
      %add3A_433 = arith.addi %mul3A_431, %add3A_432 : i32
      %swap3A_434 = arith.index_cast %add3A_433 : i32 to index
      %swap3A_435 = tpu.vector_load %arg15[%swap3A_434] {strides = array<i32>} : memref<10240xi32, #tpu.memory_space<vmem>>, vector<16xi32>,
      tpu.vector_store %arg15[%swap3A_434], %broadcast_in_dim3A_13 {strides = array<i32>} : memref<10240xi32, #tpu.memory_space<vmem>>, vector<16xi32>,
      %mul3A_436 = arith.constant 256 : i32
      %mul3A_437 = arith.muli %scan3A_364, %mul3A_436 : i32
      %add3A_438 = arith.constant 192 : i32
      %add3A_439 = arith.addi %mul3A_437, %add3A_438 : i32
      %swap3A_440 = arith.index_cast %add3A_439 : i32 to index
      %swap3A_441 = tpu.vector_load %arg15[%swap3A_440] {strides = array<i32>} : memref<10240xi32, #tpu.memory_space<vmem>>, vector<16xi32>,
      tpu.vector_store %arg15[%swap3A_440], %broadcast_in_dim3A_13 {strides = array<i32>} : memref<10240xi32, #tpu.memory_space<vmem>>, vector<16xi32>,
      %mul3A_442 = arith.constant 256 : i32
      %mul3A_443 = arith.muli %scan3A_364, %mul3A_442 : i32
      %add3A_444 = arith.constant 208 : i32
      %add3A_445 = arith.addi %mul3A_443, %add3A_444 : i32
      %swap3A_446 = arith.index_cast %add3A_445 : i32 to index
      %swap3A_447 = tpu.vector_load %arg15[%swap3A_446] {strides = array<i32>} : memref<10240xi32, #tpu.memory_space<vmem>>, vector<16xi32>,
      tpu.vector_store %arg15[%swap3A_446], %broadcast_in_dim3A_13 {strides = array<i32>} : memref<10240xi32, #tpu.memory_space<vmem>>, vector<16xi32>,
      %mul3A_448 = arith.constant 256 : i32
      %mul3A_449 = arith.muli %scan3A_364, %mul3A_448 : i32
      %add3A_450 = arith.constant 224 : i32
      %add3A_451 = arith.addi %mul3A_449, %add3A_450 : i32
      %swap3A_452 = arith.index_cast %add3A_451 : i32 to index
      %swap3A_453 = tpu.vector_load %arg15[%swap3A_452] {strides = array<i32>} : memref<10240xi32, #tpu.memory_space<vmem>>, vector<16xi32>,
      tpu.vector_store %arg15[%swap3A_452], %broadcast_in_dim3A_13 {strides = array<i32>} : memref<10240xi32, #tpu.memory_space<vmem>>, vector<16xi32>,
      %mul3A_454 = arith.constant 256 : i32
      %mul3A_455 = arith.muli %scan3A_364, %mul3A_454 : i32
      %add3A_456 = arith.constant 240 : i32
      %add3A_457 = arith.addi %mul3A_455, %add3A_456 : i32
      %swap3A_458 = arith.index_cast %add3A_457 : i32 to index
      %swap3A_459 = tpu.vector_load %arg15[%swap3A_458] {strides = array<i32>} : memref<10240xi32, #tpu.memory_space<vmem>>, vector<16xi32>,
      tpu.vector_store %arg15[%swap3A_458], %broadcast_in_dim3A_13 {strides = array<i32>} : memref<10240xi32, #tpu.memory_space<vmem>>, vector<16xi32>,
    }
    %scan3A_64 = arith.constant 40 : i32
    %mul3A_65 = arith.constant 5120 : i32
    %mul3A_66 = vector.broadcast %mul3A_65 : i32 to vector<16xi32>
    %mul3A_67 = arith.muli %shift_right_arithmetic3A_15, %mul3A_66 : vector<16xi32>
    %get3A_68 = arith.constant 16 : index
    %get3A_69 = tpu.vector_load %arg8[%get3A_68] {strides = array<i32>} : memref<128xi32, #tpu.memory_space<vmem>>, vector<16xi32>,
    %add3A_70 = arith.addi %mul3A_67, %get3A_69 : vector<16xi32>
    %get3A_71 = arith.constant 16 : index
    %get3A_72 = tpu.vector_load %arg10[%get3A_71] {strides = array<i32>} : memref<128xf32, #tpu.memory_space<vmem>>, vector<16xf32>,
    tpu.vector_store_idx %arg13[%add3A_70], %get3A_72 : memref<40960xf32, #tpu.memory_space<vmem>>[vector<16xi32>], vector<16xf32>,
    %mul3A_73 = arith.constant 1280 : i32
    %mul3A_74 = vector.broadcast %mul3A_73 : i32 to vector<16xi32>
    %mul3A_75 = arith.muli %shift_right_arithmetic3A_15, %mul3A_74 : vector<16xi32>
    %get3A_76 = arith.constant 16 : index
    %get3A_77 = tpu.vector_load %arg9[%get3A_76] {strides = array<i32>} : memref<128xi32, #tpu.memory_space<vmem>>, vector<16xi32>,
    %add3A_78 = arith.addi %mul3A_75, %get3A_77 : vector<16xi32>
    %get3A_79 = arith.constant 16 : index
    %get3A_80 = tpu.vector_load %arg11[%get3A_79] {strides = array<i32>} : memref<128xi32, #tpu.memory_space<vmem>>, vector<16xi32>,
    tpu.vector_store_idx %arg15[%add3A_78], %get3A_80 : memref<10240xi32, #tpu.memory_space<vmem>>[vector<16xi32>], vector<16xi32>,
    %add3A_81 = arith.constant 8 : i32
    %add3A_82 = arith.addi %mul3A_2, %add3A_81 : i32
    %mul3A_83 = arith.constant 5120 : i32
    %mul3A_84 = arith.muli %add3A_82, %mul3A_83 : i32
    %dma_start3A_85 = tpu.memref_slice %arg6[%mul3A_84] : memref<10485760xf32, #tpu.memory_space<hbm>> -> memref<40960xf32, #tpu.memory_space<hbm>>
    %dma_start3A_86 = tpu.memref_slice %arg6[%mul3A_84] : memref<10485760xf32, #tpu.memory_space<hbm>> -> memref<40960xf32, #tpu.memory_space<hbm>>
    tpu.enqueue_dma source(%arg13 : memref<40960xf32, #tpu.memory_space<vmem>>) target(%dma_start3A_86 : memref<40960xf32, #tpu.memory_space<hbm>>) target_semaphore(%arg17 : memref<!tpu.dma_semaphore, #tpu.memory_space<semaphore_mem>>)
    %add3A_87 = arith.constant 8 : i32
    %add3A_88 = arith.addi %mul3A_2, %add3A_87 : i32
    %mul3A_89 = arith.constant 1280 : i32
    %mul3A_90 = arith.muli %add3A_88, %mul3A_89 : i32
    %dma_start3A_91 = tpu.memref_slice %arg7[%mul3A_90] : memref<2621440xi32, #tpu.memory_space<hbm>> -> memref<10240xi32, #tpu.memory_space<hbm>>
    %dma_start3A_92 = tpu.memref_slice %arg7[%mul3A_90] : memref<2621440xi32, #tpu.memory_space<hbm>> -> memref<10240xi32, #tpu.memory_space<hbm>>
    tpu.enqueue_dma source(%arg15 : memref<10240xi32, #tpu.memory_space<vmem>>) target(%dma_start3A_92 : memref<10240xi32, #tpu.memory_space<hbm>>) target_semaphore(%arg19 : memref<!tpu.dma_semaphore, #tpu.memory_space<semaphore_mem>>)
    %dma_wait3A = tpu.memref_slice %arg6[%mul3A_45] : memref<10485760xf32, #tpu.memory_space<hbm>> -> memref<40960xf32, #tpu.memory_space<hbm>>
    %dma_wait3A_93 = tpu.memref_slice %arg6[%mul3A_45] : memref<10485760xf32, #tpu.memory_space<hbm>> -> memref<40960xf32, #tpu.memory_space<hbm>>
    tpu.wait_dma2 semaphore(%arg16 : memref<!tpu.dma_semaphore, #tpu.memory_space<semaphore_mem>>) src(%arg12 : memref<40960xf32, #tpu.memory_space<vmem>>) dst(%dma_wait3A_93 : memref<40960xf32, #tpu.memory_space<hbm>>)
    %dma_wait3A_94 = tpu.memref_slice %arg7[%mul3A_50] : memref<2621440xi32, #tpu.memory_space<hbm>> -> memref<10240xi32, #tpu.memory_space<hbm>>
    %dma_wait3A_95 = tpu.memref_slice %arg7[%mul3A_50] : memref<2621440xi32, #tpu.memory_space<hbm>> -> memref<10240xi32, #tpu.memory_space<hbm>>
    tpu.wait_dma2 semaphore(%arg18 : memref<!tpu.dma_semaphore, #tpu.memory_space<semaphore_mem>>) src(%arg14 : memref<10240xi32, #tpu.memory_space<vmem>>) dst(%dma_wait3A_95 : memref<10240xi32, #tpu.memory_space<hbm>>)
    %mul3A_96 = arith.constant 5120 : i32
    %mul3A_97 = vector.broadcast %mul3A_96 : i32 to vector<16xi32>
    %mul3A_98 = arith.muli %shift_right_arithmetic3A_15, %mul3A_97 : vector<16xi32>
    %get3A_99 = arith.constant 0 : index
    %get3A_100 = tpu.vector_load %arg8[%get3A_99] {strides = array<i32>} : memref<128xi32, #tpu.memory_space<vmem>>, vector<16xi32>,
    %add3A_101 = arith.addi %mul3A_98, %get3A_100 : vector<16xi32>
    tpu.vector_store_idx %arg12[%add3A_101], %broadcast_in_dim3A_11 : memref<40960xf32, #tpu.memory_space<vmem>>[vector<16xi32>], vector<16xf32>,
    %mul3A_102 = arith.constant 1280 : i32
    %mul3A_103 = vector.broadcast %mul3A_102 : i32 to vector<16xi32>
    %mul3A_104 = arith.muli %shift_right_arithmetic3A_15, %mul3A_103 : vector<16xi32>
    %get3A_105 = arith.constant 0 : index
    %get3A_106 = tpu.vector_load %arg9[%get3A_105] {strides = array<i32>} : memref<128xi32, #tpu.memory_space<vmem>>, vector<16xi32>,
    %add3A_107 = arith.addi %mul3A_104, %get3A_106 : vector<16xi32>
    tpu.vector_store_idx %arg14[%add3A_107], %broadcast_in_dim3A_13 : memref<10240xi32, #tpu.memory_space<vmem>>[vector<16xi32>], vector<16xi32>,
    %mul3A_108 = arith.constant 5120 : i32
    %mul3A_109 = vector.broadcast %mul3A_108 : i32 to vector<16xi32>
    %mul3A_110 = arith.muli %shift_right_arithmetic3A_15, %mul3A_109 : vector<16xi32>
    %get3A_111 = arith.constant 32 : index
    %get3A_112 = tpu.vector_load %arg8[%get3A_111] {strides = array<i32>} : memref<128xi32, #tpu.memory_space<vmem>>, vector<16xi32>,
    %add3A_113 = arith.addi %mul3A_110, %get3A_112 : vector<16xi32>
    %get3A_114 = arith.constant 32 : index
    %get3A_115 = tpu.vector_load %arg10[%get3A_114] {strides = array<i32>} : memref<128xf32, #tpu.memory_space<vmem>>, vector<16xf32>,
    tpu.vector_store_idx %arg12[%add3A_113], %get3A_115 : memref<40960xf32, #tpu.memory_space<vmem>>[vector<16xi32>], vector<16xf32>,
    %mul3A_116 = arith.constant 1280 : i32
    %mul3A_117 = vector.broadcast %mul3A_116 : i32 to vector<16xi32>
    %mul3A_118 = arith.muli %shift_right_arithmetic3A_15, %mul3A_117 : vector<16xi32>
    %get3A_119 = arith.constant 32 : index
    %get3A_120 = tpu.vector_load %arg9[%get3A_119] {strides = array<i32>} : memref<128xi32, #tpu.memory_space<vmem>>, vector<16xi32>,
    %add3A_121 = arith.addi %mul3A_118, %get3A_120 : vector<16xi32>
    %get3A_122 = arith.constant 32 : index
    %get3A_123 = tpu.vector_load %arg11[%get3A_122] {strides = array<i32>} : memref<128xi32, #tpu.memory_space<vmem>>, vector<16xi32>,
    tpu.vector_store_idx %arg14[%add3A_121], %get3A_123 : memref<10240xi32, #tpu.memory_space<vmem>>[vector<16xi32>], vector<16xi32>,
    %add3A_124 = arith.constant 16 : i32
    %add3A_125 = arith.addi %mul3A_2, %add3A_124 : i32
    %mul3A_126 = arith.constant 5120 : i32
    %mul3A_127 = arith.muli %add3A_125, %mul3A_126 : i32
    %dma_start3A_128 = tpu.memref_slice %arg6[%mul3A_127] : memref<10485760xf32, #tpu.memory_space<hbm>> -> memref<40960xf32, #tpu.memory_space<hbm>>
    %dma_start3A_129 = tpu.memref_slice %arg6[%mul3A_127] : memref<10485760xf32, #tpu.memory_space<hbm>> -> memref<40960xf32, #tpu.memory_space<hbm>>
    tpu.enqueue_dma source(%arg12 : memref<40960xf32, #tpu.memory_space<vmem>>) target(%dma_start3A_129 : memref<40960xf32, #tpu.memory_space<hbm>>) target_semaphore(%arg16 : memref<!tpu.dma_semaphore, #tpu.memory_space<semaphore_mem>>)
    %add3A_130 = arith.constant 16 : i32
    %add3A_131 = arith.addi %mul3A_2, %add3A_130 : i32
    %mul3A_132 = arith.constant 1280 : i32
    %mul3A_133 = arith.muli %add3A_131, %mul3A_132 : i32
    %dma_start3A_134 = tpu.memref_slice %arg7[%mul3A_133] : memref<2621440xi32, #tpu.memory_space<hbm>> -> memref<10240xi32, #tpu.memory_space<hbm>>
    %dma_start3A_135 = tpu.memref_slice %arg7[%mul3A_133] : memref<2621440xi32, #tpu.memory_space<hbm>> -> memref<10240xi32, #tpu.memory_space<hbm>>
    tpu.enqueue_dma source(%arg14 : memref<10240xi32, #tpu.memory_space<vmem>>) target(%dma_start3A_135 : memref<10240xi32, #tpu.memory_space<hbm>>) target_semaphore(%arg18 : memref<!tpu.dma_semaphore, #tpu.memory_space<semaphore_mem>>)
    %dma_wait3A_136 = tpu.memref_slice %arg6[%mul3A_84] : memref<10485760xf32, #tpu.memory_space<hbm>> -> memref<40960xf32, #tpu.memory_space<hbm>>
    %dma_wait3A_137 = tpu.memref_slice %arg6[%mul3A_84] : memref<10485760xf32, #tpu.memory_space<hbm>> -> memref<40960xf32, #tpu.memory_space<hbm>>
    tpu.wait_dma2 semaphore(%arg17 : memref<!tpu.dma_semaphore, #tpu.memory_space<semaphore_mem>>) src(%arg13 : memref<40960xf32, #tpu.memory_space<vmem>>) dst(%dma_wait3A_137 : memref<40960xf32, #tpu.memory_space<hbm>>)
    %dma_wait3A_138 = tpu.memref_slice %arg7[%mul3A_90] : memref<2621440xi32, #tpu.memory_space<hbm>> -> memref<10240xi32, #tpu.memory_space<hbm>>
    %dma_wait3A_139 = tpu.memref_slice %arg7[%mul3A_90] : memref<2621440xi32, #tpu.memory_space<hbm>> -> memref<10240xi32, #tpu.memory_space<hbm>>
    tpu.wait_dma2 semaphore(%arg19 : memref<!tpu.dma_semaphore, #tpu.memory_space<semaphore_mem>>) src(%arg15 : memref<10240xi32, #tpu.memory_space<vmem>>) dst(%dma_wait3A_139 : memref<10240xi32, #tpu.memory_space<hbm>>)
    %mul3A_140 = arith.constant 5120 : i32
    %mul3A_141 = vector.broadcast %mul3A_140 : i32 to vector<16xi32>
    %mul3A_142 = arith.muli %shift_right_arithmetic3A_15, %mul3A_141 : vector<16xi32>
    %get3A_143 = arith.constant 16 : index
    %get3A_144 = tpu.vector_load %arg8[%get3A_143] {strides = array<i32>} : memref<128xi32, #tpu.memory_space<vmem>>, vector<16xi32>,
    %add3A_145 = arith.addi %mul3A_142, %get3A_144 : vector<16xi32>
    tpu.vector_store_idx %arg13[%add3A_145], %broadcast_in_dim3A_11 : memref<40960xf32, #tpu.memory_space<vmem>>[vector<16xi32>], vector<16xf32>,
    %mul3A_146 = arith.constant 1280 : i32
    %mul3A_147 = vector.broadcast %mul3A_146 : i32 to vector<16xi32>
    %mul3A_148 = arith.muli %shift_right_arithmetic3A_15, %mul3A_147 : vector<16xi32>
    %get3A_149 = arith.constant 16 : index
    %get3A_150 = tpu.vector_load %arg9[%get3A_149] {strides = array<i32>} : memref<128xi32, #tpu.memory_space<vmem>>, vector<16xi32>,
    %add3A_151 = arith.addi %mul3A_148, %get3A_150 : vector<16xi32>
    tpu.vector_store_idx %arg15[%add3A_151], %broadcast_in_dim3A_13 : memref<10240xi32, #tpu.memory_space<vmem>>[vector<16xi32>], vector<16xi32>,
    %mul3A_152 = arith.constant 5120 : i32
    %mul3A_153 = vector.broadcast %mul3A_152 : i32 to vector<16xi32>
    %mul3A_154 = arith.muli %shift_right_arithmetic3A_15, %mul3A_153 : vector<16xi32>
    %get3A_155 = arith.constant 48 : index
    %get3A_156 = tpu.vector_load %arg8[%get3A_155] {strides = array<i32>} : memref<128xi32, #tpu.memory_space<vmem>>, vector<16xi32>,
    %add3A_157 = arith.addi %mul3A_154, %get3A_156 : vector<16xi32>
    %get3A_158 = arith.constant 48 : index
    %get3A_159 = tpu.vector_load %arg10[%get3A_158] {strides = array<i32>} : memref<128xf32, #tpu.memory_space<vmem>>, vector<16xf32>,
    tpu.vector_store_idx %arg13[%add3A_157], %get3A_159 : memref<40960xf32, #tpu.memory_space<vmem>>[vector<16xi32>], vector<16xf32>,
    %mul3A_160 = arith.constant 1280 : i32
    %mul3A_161 = vector.broadcast %mul3A_160 : i32 to vector<16xi32>
    %mul3A_162 = arith.muli %shift_right_arithmetic3A_15, %mul3A_161 : vector<16xi32>
    %get3A_163 = arith.constant 48 : index
    %get3A_164 = tpu.vector_load %arg9[%get3A_163] {strides = array<i32>} : memref<128xi32, #tpu.memory_space<vmem>>, vector<16xi32>,
    %add3A_165 = arith.addi %mul3A_162, %get3A_164 : vector<16xi32>
    %get3A_166 = arith.constant 48 : index
    %get3A_167 = tpu.vector_load %arg11[%get3A_166] {strides = array<i32>} : memref<128xi32, #tpu.memory_space<vmem>>, vector<16xi32>,
    tpu.vector_store_idx %arg15[%add3A_165], %get3A_167 : memref<10240xi32, #tpu.memory_space<vmem>>[vector<16xi32>], vector<16xi32>,
    %add3A_168 = arith.constant 24 : i32
    %add3A_169 = arith.addi %mul3A_2, %add3A_168 : i32
    %mul3A_170 = arith.constant 5120 : i32
    %mul3A_171 = arith.muli %add3A_169, %mul3A_170 : i32
    %dma_start3A_172 = tpu.memref_slice %arg6[%mul3A_171] : memref<10485760xf32, #tpu.memory_space<hbm>> -> memref<40960xf32, #tpu.memory_space<hbm>>
    %dma_start3A_173 = tpu.memref_slice %arg6[%mul3A_171] : memref<10485760xf32, #tpu.memory_space<hbm>> -> memref<40960xf32, #tpu.memory_space<hbm>>
    tpu.enqueue_dma source(%arg13 : memref<40960xf32, #tpu.memory_space<vmem>>) target(%dma_start3A_173 : memref<40960xf32, #tpu.memory_space<hbm>>) target_semaphore(%arg17 : memref<!tpu.dma_semaphore, #tpu.memory_space<semaphore_mem>>)
    %add3A_174 = arith.constant 24 : i32
    %add3A_175 = arith.addi %mul3A_2, %add3A_174 : i32
    %mul3A_176 = arith.constant 1280 : i32
    %mul3A_177 = arith.muli %add3A_175, %mul3A_176 : i32
    %dma_start3A_178 = tpu.memref_slice %arg7[%mul3A_177] : memref<2621440xi32, #tpu.memory_space<hbm>> -> memref<10240xi32, #tpu.memory_space<hbm>>
    %dma_start3A_179 = tpu.memref_slice %arg7[%mul3A_177] : memref<2621440xi32, #tpu.memory_space<hbm>> -> memref<10240xi32, #tpu.memory_space<hbm>>
    tpu.enqueue_dma source(%arg15 : memref<10240xi32, #tpu.memory_space<vmem>>) target(%dma_start3A_179 : memref<10240xi32, #tpu.memory_space<hbm>>) target_semaphore(%arg19 : memref<!tpu.dma_semaphore, #tpu.memory_space<semaphore_mem>>)
    %dma_wait3A_180 = tpu.memref_slice %arg6[%mul3A_127] : memref<10485760xf32, #tpu.memory_space<hbm>> -> memref<40960xf32, #tpu.memory_space<hbm>>
    %dma_wait3A_181 = tpu.memref_slice %arg6[%mul3A_127] : memref<10485760xf32, #tpu.memory_space<hbm>> -> memref<40960xf32, #tpu.memory_space<hbm>>
    tpu.wait_dma2 semaphore(%arg16 : memref<!tpu.dma_semaphore, #tpu.memory_space<semaphore_mem>>) src(%arg12 : memref<40960xf32, #tpu.memory_space<vmem>>) dst(%dma_wait3A_181 : memref<40960xf32, #tpu.memory_space<hbm>>)
    %dma_wait3A_182 = tpu.memref_slice %arg7[%mul3A_133] : memref<2621440xi32, #tpu.memory_space<hbm>> -> memref<10240xi32, #tpu.memory_space<hbm>>
    %dma_wait3A_183 = tpu.memref_slice %arg7[%mul3A_133] : memref<2621440xi32, #tpu.memory_space<hbm>> -> memref<10240xi32, #tpu.memory_space<hbm>>
    tpu.wait_dma2 semaphore(%arg18 : memref<!tpu.dma_semaphore, #tpu.memory_space<semaphore_mem>>) src(%arg14 : memref<10240xi32, #tpu.memory_space<vmem>>) dst(%dma_wait3A_183 : memref<10240xi32, #tpu.memory_space<hbm>>)
    %mul3A_184 = arith.constant 5120 : i32
    %mul3A_185 = vector.broadcast %mul3A_184 : i32 to vector<16xi32>
    %mul3A_186 = arith.muli %shift_right_arithmetic3A_15, %mul3A_185 : vector<16xi32>
    %get3A_187 = arith.constant 32 : index
    %get3A_188 = tpu.vector_load %arg8[%get3A_187] {strides = array<i32>} : memref<128xi32, #tpu.memory_space<vmem>>, vector<16xi32>,
    %add3A_189 = arith.addi %mul3A_186, %get3A_188 : vector<16xi32>
    tpu.vector_store_idx %arg12[%add3A_189], %broadcast_in_dim3A_11 : memref<40960xf32, #tpu.memory_space<vmem>>[vector<16xi32>], vector<16xf32>,
    %mul3A_190 = arith.constant 1280 : i32
    %mul3A_191 = vector.broadcast %mul3A_190 : i32 to vector<16xi32>
    %mul3A_192 = arith.muli %shift_right_arithmetic3A_15, %mul3A_191 : vector<16xi32>
    %get3A_193 = arith.constant 32 : index
    %get3A_194 = tpu.vector_load %arg9[%get3A_193] {strides = array<i32>} : memref<128xi32, #tpu.memory_space<vmem>>, vector<16xi32>,
    %add3A_195 = arith.addi %mul3A_192, %get3A_194 : vector<16xi32>
    tpu.vector_store_idx %arg14[%add3A_195], %broadcast_in_dim3A_13 : memref<10240xi32, #tpu.memory_space<vmem>>[vector<16xi32>], vector<16xi32>,
    %mul3A_196 = arith.constant 5120 : i32
    %mul3A_197 = vector.broadcast %mul3A_196 : i32 to vector<16xi32>
    %mul3A_198 = arith.muli %shift_right_arithmetic3A_15, %mul3A_197 : vector<16xi32>
    %get3A_199 = arith.constant 64 : index
    %get3A_200 = tpu.vector_load %arg8[%get3A_199] {strides = array<i32>} : memref<128xi32, #tpu.memory_space<vmem>>, vector<16xi32>,
    %add3A_201 = arith.addi %mul3A_198, %get3A_200 : vector<16xi32>
    %get3A_202 = arith.constant 64 : index
    %get3A_203 = tpu.vector_load %arg10[%get3A_202] {strides = array<i32>} : memref<128xf32, #tpu.memory_space<vmem>>, vector<16xf32>,
    tpu.vector_store_idx %arg12[%add3A_201], %get3A_203 : memref<40960xf32, #tpu.memory_space<vmem>>[vector<16xi32>], vector<16xf32>,
    %mul3A_204 = arith.constant 1280 : i32
    %mul3A_205 = vector.broadcast %mul3A_204 : i32 to vector<16xi32>
    %mul3A_206 = arith.muli %shift_right_arithmetic3A_15, %mul3A_205 : vector<16xi32>
    %get3A_207 = arith.constant 64 : index
    %get3A_208 = tpu.vector_load %arg9[%get3A_207] {strides = array<i32>} : memref<128xi32, #tpu.memory_space<vmem>>, vector<16xi32>,
    %add3A_209 = arith.addi %mul3A_206, %get3A_208 : vector<16xi32>
    %get3A_210 = arith.constant 64 : index
    %get3A_211 = tpu.vector_load %arg11[%get3A_210] {strides = array<i32>} : memref<128xi32, #tpu.memory_space<vmem>>, vector<16xi32>,
    tpu.vector_store_idx %arg14[%add3A_209], %get3A_211 : memref<10240xi32, #tpu.memory_space<vmem>>[vector<16xi32>], vector<16xi32>,
    %add3A_212 = arith.constant 32 : i32
    %add3A_213 = arith.addi %mul3A_2, %add3A_212 : i32
    %mul3A_214 = arith.constant 5120 : i32
    %mul3A_215 = arith.muli %add3A_213, %mul3A_214 : i32
    %dma_start3A_216 = tpu.memref_slice %arg6[%mul3A_215] : memref<10485760xf32, #tpu.memory_space<hbm>> -> memref<40960xf32, #tpu.memory_space<hbm>>
    %dma_start3A_217 = tpu.memref_slice %arg6[%mul3A_215] : memref<10485760xf32, #tpu.memory_space<hbm>> -> memref<40960xf32, #tpu.memory_space<hbm>>
    tpu.enqueue_dma source(%arg12 : memref<40960xf32, #tpu.memory_space<vmem>>) target(%dma_start3A_217 : memref<40960xf32, #tpu.memory_space<hbm>>) target_semaphore(%arg16 : memref<!tpu.dma_semaphore, #tpu.memory_space<semaphore_mem>>)
    %add3A_218 = arith.constant 32 : i32
    %add3A_219 = arith.addi %mul3A_2, %add3A_218 : i32
    %mul3A_220 = arith.constant 1280 : i32
    %mul3A_221 = arith.muli %add3A_219, %mul3A_220 : i32
    %dma_start3A_222 = tpu.memref_slice %arg7[%mul3A_221] : memref<2621440xi32, #tpu.memory_space<hbm>> -> memref<10240xi32, #tpu.memory_space<hbm>>
    %dma_start3A_223 = tpu.memref_slice %arg7[%mul3A_221] : memref<2621440xi32, #tpu.memory_space<hbm>> -> memref<10240xi32, #tpu.memory_space<hbm>>
    tpu.enqueue_dma source(%arg14 : memref<10240xi32, #tpu.memory_space<vmem>>) target(%dma_start3A_223 : memref<10240xi32, #tpu.memory_space<hbm>>) target_semaphore(%arg18 : memref<!tpu.dma_semaphore, #tpu.memory_space<semaphore_mem>>)
    %dma_wait3A_224 = tpu.memref_slice %arg6[%mul3A_171] : memref<10485760xf32, #tpu.memory_space<hbm>> -> memref<40960xf32, #tpu.memory_space<hbm>>
    %dma_wait3A_225 = tpu.memref_slice %arg6[%mul3A_171] : memref<10485760xf32, #tpu.memory_space<hbm>> -> memref<40960xf32, #tpu.memory_space<hbm>>
    tpu.wait_dma2 semaphore(%arg17 : memref<!tpu.dma_semaphore, #tpu.memory_space<semaphore_mem>>) src(%arg13 : memref<40960xf32, #tpu.memory_space<vmem>>) dst(%dma_wait3A_225 : memref<40960xf32, #tpu.memory_space<hbm>>)
    %dma_wait3A_226 = tpu.memref_slice %arg7[%mul3A_177] : memref<2621440xi32, #tpu.memory_space<hbm>> -> memref<10240xi32, #tpu.memory_space<hbm>>
    %dma_wait3A_227 = tpu.memref_slice %arg7[%mul3A_177] : memref<2621440xi32, #tpu.memory_space<hbm>> -> memref<10240xi32, #tpu.memory_space<hbm>>
    tpu.wait_dma2 semaphore(%arg19 : memref<!tpu.dma_semaphore, #tpu.memory_space<semaphore_mem>>) src(%arg15 : memref<10240xi32, #tpu.memory_space<vmem>>) dst(%dma_wait3A_227 : memref<10240xi32, #tpu.memory_space<hbm>>)
    %mul3A_228 = arith.constant 5120 : i32
    %mul3A_229 = vector.broadcast %mul3A_228 : i32 to vector<16xi32>
    %mul3A_230 = arith.muli %shift_right_arithmetic3A_15, %mul3A_229 : vector<16xi32>
    %get3A_231 = arith.constant 48 : index
    %get3A_232 = tpu.vector_load %arg8[%get3A_231] {strides = array<i32>} : memref<128xi32, #tpu.memory_space<vmem>>, vector<16xi32>,
    %add3A_233 = arith.addi %mul3A_230, %get3A_232 : vector<16xi32>
    tpu.vector_store_idx %arg13[%add3A_233], %broadcast_in_dim3A_11 : memref<40960xf32, #tpu.memory_space<vmem>>[vector<16xi32>], vector<16xf32>,
    %mul3A_234 = arith.constant 1280 : i32
    %mul3A_235 = vector.broadcast %mul3A_234 : i32 to vector<16xi32>
    %mul3A_236 = arith.muli %shift_right_arithmetic3A_15, %mul3A_235 : vector<16xi32>
    %get3A_237 = arith.constant 48 : index
    %get3A_238 = tpu.vector_load %arg9[%get3A_237] {strides = array<i32>} : memref<128xi32, #tpu.memory_space<vmem>>, vector<16xi32>,
    %add3A_239 = arith.addi %mul3A_236, %get3A_238 : vector<16xi32>
    tpu.vector_store_idx %arg15[%add3A_239], %broadcast_in_dim3A_13 : memref<10240xi32, #tpu.memory_space<vmem>>[vector<16xi32>], vector<16xi32>,
    %mul3A_240 = arith.constant 5120 : i32
    %mul3A_241 = vector.broadcast %mul3A_240 : i32 to vector<16xi32>
    %mul3A_242 = arith.muli %shift_right_arithmetic3A_15, %mul3A_241 : vector<16xi32>
    %get3A_243 = arith.constant 80 : index
    %get3A_244 = tpu.vector_load %arg8[%get3A_243] {strides = array<i32>} : memref<128xi32, #tpu.memory_space<vmem>>, vector<16xi32>,
    %add3A_245 = arith.addi %mul3A_242, %get3A_244 : vector<16xi32>
    %get3A_246 = arith.constant 80 : index
    %get3A_247 = tpu.vector_load %arg10[%get3A_246] {strides = array<i32>} : memref<128xf32, #tpu.memory_space<vmem>>, vector<16xf32>,
    tpu.vector_store_idx %arg13[%add3A_245], %get3A_247 : memref<40960xf32, #tpu.memory_space<vmem>>[vector<16xi32>], vector<16xf32>,
    %mul3A_248 = arith.constant 1280 : i32
    %mul3A_249 = vector.broadcast %mul3A_248 : i32 to vector<16xi32>
    %mul3A_250 = arith.muli %shift_right_arithmetic3A_15, %mul3A_249 : vector<16xi32>
    %get3A_251 = arith.constant 80 : index
    %get3A_252 = tpu.vector_load %arg9[%get3A_251] {strides = array<i32>} : memref<128xi32, #tpu.memory_space<vmem>>, vector<16xi32>,
    %add3A_253 = arith.addi %mul3A_250, %get3A_252 : vector<16xi32>
    %get3A_254 = arith.constant 80 : index
    %get3A_255 = tpu.vector_load %arg11[%get3A_254] {strides = array<i32>} : memref<128xi32, #tpu.memory_space<vmem>>, vector<16xi32>,
    tpu.vector_store_idx %arg15[%add3A_253], %get3A_255 : memref<10240xi32, #tpu.memory_space<vmem>>[vector<16xi32>], vector<16xi32>,
    %add3A_256 = arith.constant 40 : i32
    %add3A_257 = arith.addi %mul3A_2, %add3A_256 : i32
    %mul3A_258 = arith.constant 5120 : i32
    %mul3A_259 = arith.muli %add3A_257, %mul3A_258 : i32
    %dma_start3A_260 = tpu.memref_slice %arg6[%mul3A_259] : memref<10485760xf32, #tpu.memory_space<hbm>> -> memref<40960xf32, #tpu.memory_space<hbm>>
    %dma_start3A_261 = tpu.memref_slice %arg6[%mul3A_259] : memref<10485760xf32, #tpu.memory_space<hbm>> -> memref<40960xf32, #tpu.memory_space<hbm>>
    tpu.enqueue_dma source(%arg13 : memref<40960xf32, #tpu.memory_space<vmem>>) target(%dma_start3A_261 : memref<40960xf32, #tpu.memory_space<hbm>>) target_semaphore(%arg17 : memref<!tpu.dma_semaphore, #tpu.memory_space<semaphore_mem>>)
    %add3A_262 = arith.constant 40 : i32
    %add3A_263 = arith.addi %mul3A_2, %add3A_262 : i32
    %mul3A_264 = arith.constant 1280 : i32
    %mul3A_265 = arith.muli %add3A_263, %mul3A_264 : i32
    %dma_start3A_266 = tpu.memref_slice %arg7[%mul3A_265] : memref<2621440xi32, #tpu.memory_space<hbm>> -> memref<10240xi32, #tpu.memory_space<hbm>>
    %dma_start3A_267 = tpu.memref_slice %arg7[%mul3A_265] : memref<2621440xi32, #tpu.memory_space<hbm>> -> memref<10240xi32, #tpu.memory_space<hbm>>
    tpu.enqueue_dma source(%arg15 : memref<10240xi32, #tpu.memory_space<vmem>>) target(%dma_start3A_267 : memref<10240xi32, #tpu.memory_space<hbm>>) target_semaphore(%arg19 : memref<!tpu.dma_semaphore, #tpu.memory_space<semaphore_mem>>)
    %dma_wait3A_268 = tpu.memref_slice %arg6[%mul3A_215] : memref<10485760xf32, #tpu.memory_space<hbm>> -> memref<40960xf32, #tpu.memory_space<hbm>>
    %dma_wait3A_269 = tpu.memref_slice %arg6[%mul3A_215] : memref<10485760xf32, #tpu.memory_space<hbm>> -> memref<40960xf32, #tpu.memory_space<hbm>>
    tpu.wait_dma2 semaphore(%arg16 : memref<!tpu.dma_semaphore, #tpu.memory_space<semaphore_mem>>) src(%arg12 : memref<40960xf32, #tpu.memory_space<vmem>>) dst(%dma_wait3A_269 : memref<40960xf32, #tpu.memory_space<hbm>>)
    %dma_wait3A_270 = tpu.memref_slice %arg7[%mul3A_221] : memref<2621440xi32, #tpu.memory_space<hbm>> -> memref<10240xi32, #tpu.memory_space<hbm>>
    %dma_wait3A_271 = tpu.memref_slice %arg7[%mul3A_221] : memref<2621440xi32, #tpu.memory_space<hbm>> -> memref<10240xi32, #tpu.memory_space<hbm>>
    tpu.wait_dma2 semaphore(%arg18 : memref<!tpu.dma_semaphore, #tpu.memory_space<semaphore_mem>>) src(%arg14 : memref<10240xi32, #tpu.memory_space<vmem>>) dst(%dma_wait3A_271 : memref<10240xi32, #tpu.memory_space<hbm>>)
    %mul3A_272 = arith.constant 5120 : i32
    %mul3A_273 = vector.broadcast %mul3A_272 : i32 to vector<16xi32>
    %mul3A_274 = arith.muli %shift_right_arithmetic3A_15, %mul3A_273 : vector<16xi32>
    %get3A_275 = arith.constant 64 : index
    %get3A_276 = tpu.vector_load %arg8[%get3A_275] {strides = array<i32>} : memref<128xi32, #tpu.memory_space<vmem>>, vector<16xi32>,
    %add3A_277 = arith.addi %mul3A_274, %get3A_276 : vector<16xi32>
    tpu.vector_store_idx %arg12[%add3A_277], %broadcast_in_dim3A_11 : memref<40960xf32, #tpu.memory_space<vmem>>[vector<16xi32>], vector<16xf32>,
    %mul3A_278 = arith.constant 1280 : i32
    %mul3A_279 = vector.broadcast %mul3A_278 : i32 to vector<16xi32>
    %mul3A_280 = arith.muli %shift_right_arithmetic3A_15, %mul3A_279 : vector<16xi32>
    %get3A_281 = arith.constant 64 : index
    %get3A_282 = tpu.vector_load %arg9[%get3A_281] {strides = array<i32>} : memref<128xi32, #tpu.memory_space<vmem>>, vector<16xi32>,
    %add3A_283 = arith.addi %mul3A_280, %get3A_282 : vector<16xi32>
    tpu.vector_store_idx %arg14[%add3A_283], %broadcast_in_dim3A_13 : memref<10240xi32, #tpu.memory_space<vmem>>[vector<16xi32>], vector<16xi32>,
    %mul3A_284 = arith.constant 5120 : i32
    %mul3A_285 = vector.broadcast %mul3A_284 : i32 to vector<16xi32>
    %mul3A_286 = arith.muli %shift_right_arithmetic3A_15, %mul3A_285 : vector<16xi32>
    %get3A_287 = arith.constant 96 : index
    %get3A_288 = tpu.vector_load %arg8[%get3A_287] {strides = array<i32>} : memref<128xi32, #tpu.memory_space<vmem>>, vector<16xi32>,
    %add3A_289 = arith.addi %mul3A_286, %get3A_288 : vector<16xi32>
    %get3A_290 = arith.constant 96 : index
    %get3A_291 = tpu.vector_load %arg10[%get3A_290] {strides = array<i32>} : memref<128xf32, #tpu.memory_space<vmem>>, vector<16xf32>,
    tpu.vector_store_idx %arg12[%add3A_289], %get3A_291 : memref<40960xf32, #tpu.memory_space<vmem>>[vector<16xi32>], vector<16xf32>,
    %mul3A_292 = arith.constant 1280 : i32
    %mul3A_293 = vector.broadcast %mul3A_292 : i32 to vector<16xi32>
    %mul3A_294 = arith.muli %shift_right_arithmetic3A_15, %mul3A_293 : vector<16xi32>
    %get3A_295 = arith.constant 96 : index
    %get3A_296 = tpu.vector_load %arg9[%get3A_295] {strides = array<i32>} : memref<128xi32, #tpu.memory_space<vmem>>, vector<16xi32>,
    %add3A_297 = arith.addi %mul3A_294, %get3A_296 : vector<16xi32>
    %get3A_298 = arith.constant 96 : index
    %get3A_299 = tpu.vector_load %arg11[%get3A_298] {strides = array<i32>} : memref<128xi32, #tpu.memory_space<vmem>>, vector<16xi32>,
    tpu.vector_store_idx %arg14[%add3A_297], %get3A_299 : memref<10240xi32, #tpu.memory_space<vmem>>[vector<16xi32>], vector<16xi32>,
    %add3A_300 = arith.constant 48 : i32
    %add3A_301 = arith.addi %mul3A_2, %add3A_300 : i32
    %mul3A_302 = arith.constant 5120 : i32
    %mul3A_303 = arith.muli %add3A_301, %mul3A_302 : i32
    %dma_start3A_304 = tpu.memref_slice %arg6[%mul3A_303] : memref<10485760xf32, #tpu.memory_space<hbm>> -> memref<40960xf32, #tpu.memory_space<hbm>>
    %dma_start3A_305 = tpu.memref_slice %arg6[%mul3A_303] : memref<10485760xf32, #tpu.memory_space<hbm>> -> memref<40960xf32, #tpu.memory_space<hbm>>
    tpu.enqueue_dma source(%arg12 : memref<40960xf32, #tpu.memory_space<vmem>>) target(%dma_start3A_305 : memref<40960xf32, #tpu.memory_space<hbm>>) target_semaphore(%arg16 : memref<!tpu.dma_semaphore, #tpu.memory_space<semaphore_mem>>)
    %add3A_306 = arith.constant 48 : i32
    %add3A_307 = arith.addi %mul3A_2, %add3A_306 : i32
    %mul3A_308 = arith.constant 1280 : i32
    %mul3A_309 = arith.muli %add3A_307, %mul3A_308 : i32
    %dma_start3A_310 = tpu.memref_slice %arg7[%mul3A_309] : memref<2621440xi32, #tpu.memory_space<hbm>> -> memref<10240xi32, #tpu.memory_space<hbm>>
    %dma_start3A_311 = tpu.memref_slice %arg7[%mul3A_309] : memref<2621440xi32, #tpu.memory_space<hbm>> -> memref<10240xi32, #tpu.memory_space<hbm>>
    tpu.enqueue_dma source(%arg14 : memref<10240xi32, #tpu.memory_space<vmem>>) target(%dma_start3A_311 : memref<10240xi32, #tpu.memory_space<hbm>>) target_semaphore(%arg18 : memref<!tpu.dma_semaphore, #tpu.memory_space<semaphore_mem>>)
    %dma_wait3A_312 = tpu.memref_slice %arg6[%mul3A_259] : memref<10485760xf32, #tpu.memory_space<hbm>> -> memref<40960xf32, #tpu.memory_space<hbm>>
    %dma_wait3A_313 = tpu.memref_slice %arg6[%mul3A_259] : memref<10485760xf32, #tpu.memory_space<hbm>> -> memref<40960xf32, #tpu.memory_space<hbm>>
    tpu.wait_dma2 semaphore(%arg17 : memref<!tpu.dma_semaphore, #tpu.memory_space<semaphore_mem>>) src(%arg13 : memref<40960xf32, #tpu.memory_space<vmem>>) dst(%dma_wait3A_313 : memref<40960xf32, #tpu.memory_space<hbm>>)
    %dma_wait3A_314 = tpu.memref_slice %arg7[%mul3A_265] : memref<2621440xi32, #tpu.memory_space<hbm>> -> memref<10240xi32, #tpu.memory_space<hbm>>
    %dma_wait3A_315 = tpu.memref_slice %arg7[%mul3A_265] : memref<2621440xi32, #tpu.memory_space<hbm>> -> memref<10240xi32, #tpu.memory_space<hbm>>
    tpu.wait_dma2 semaphore(%arg19 : memref<!tpu.dma_semaphore, #tpu.memory_space<semaphore_mem>>) src(%arg15 : memref<10240xi32, #tpu.memory_space<vmem>>) dst(%dma_wait3A_315 : memref<10240xi32, #tpu.memory_space<hbm>>)
    %mul3A_316 = arith.constant 5120 : i32
    %mul3A_317 = vector.broadcast %mul3A_316 : i32 to vector<16xi32>
    %mul3A_318 = arith.muli %shift_right_arithmetic3A_15, %mul3A_317 : vector<16xi32>
    %get3A_319 = arith.constant 80 : index
    %get3A_320 = tpu.vector_load %arg8[%get3A_319] {strides = array<i32>} : memref<128xi32, #tpu.memory_space<vmem>>, vector<16xi32>,
    %add3A_321 = arith.addi %mul3A_318, %get3A_320 : vector<16xi32>
    tpu.vector_store_idx %arg13[%add3A_321], %broadcast_in_dim3A_11 : memref<40960xf32, #tpu.memory_space<vmem>>[vector<16xi32>], vector<16xf32>,
    %mul3A_322 = arith.constant 1280 : i32
    %mul3A_323 = vector.broadcast %mul3A_322 : i32 to vector<16xi32>
    %mul3A_324 = arith.muli %shift_right_arithmetic3A_15, %mul3A_323 : vector<16xi32>
    %get3A_325 = arith.constant 80 : index
    %get3A_326 = tpu.vector_load %arg9[%get3A_325] {strides = array<i32>} : memref<128xi32, #tpu.memory_space<vmem>>, vector<16xi32>,
    %add3A_327 = arith.addi %mul3A_324, %get3A_326 : vector<16xi32>
    tpu.vector_store_idx %arg15[%add3A_327], %broadcast_in_dim3A_13 : memref<10240xi32, #tpu.memory_space<vmem>>[vector<16xi32>], vector<16xi32>,
    %mul3A_328 = arith.constant 5120 : i32
    %mul3A_329 = vector.broadcast %mul3A_328 : i32 to vector<16xi32>
    %mul3A_330 = arith.muli %shift_right_arithmetic3A_15, %mul3A_329 : vector<16xi32>
    %get3A_331 = arith.constant 112 : index
    %get3A_332 = tpu.vector_load %arg8[%get3A_331] {strides = array<i32>} : memref<128xi32, #tpu.memory_space<vmem>>, vector<16xi32>,
    %add3A_333 = arith.addi %mul3A_330, %get3A_332 : vector<16xi32>
    %get3A_334 = arith.constant 112 : index
    %get3A_335 = tpu.vector_load %arg10[%get3A_334] {strides = array<i32>} : memref<128xf32, #tpu.memory_space<vmem>>, vector<16xf32>,
    tpu.vector_store_idx %arg13[%add3A_333], %get3A_335 : memref<40960xf32, #tpu.memory_space<vmem>>[vector<16xi32>], vector<16xf32>,
    %mul3A_336 = arith.constant 1280 : i32
    %mul3A_337 = vector.broadcast %mul3A_336 : i32 to vector<16xi32>
    %mul3A_338 = arith.muli %shift_right_arithmetic3A_15, %mul3A_337 : vector<16xi32>
    %get3A_339 = arith.constant 112 : index
    %get3A_340 = tpu.vector_load %arg9[%get3A_339] {strides = array<i32>} : memref<128xi32, #tpu.memory_space<vmem>>, vector<16xi32>,
    %add3A_341 = arith.addi %mul3A_338, %get3A_340 : vector<16xi32>
    %get3A_342 = arith.constant 112 : index
    %get3A_343 = tpu.vector_load %arg11[%get3A_342] {strides = array<i32>} : memref<128xi32, #tpu.memory_space<vmem>>, vector<16xi32>,
    tpu.vector_store_idx %arg15[%add3A_341], %get3A_343 : memref<10240xi32, #tpu.memory_space<vmem>>[vector<16xi32>], vector<16xi32>,
    %add3A_344 = arith.constant 56 : i32
    %add3A_345 = arith.addi %mul3A_2, %add3A_344 : i32
    %mul3A_346 = arith.constant 5120 : i32
    %mul3A_347 = arith.muli %add3A_345, %mul3A_346 : i32
    %dma_start3A_348 = tpu.memref_slice %arg6[%mul3A_347] : memref<10485760xf32, #tpu.memory_space<hbm>> -> memref<40960xf32, #tpu.memory_space<hbm>>
    %dma_start3A_349 = tpu.memref_slice %arg6[%mul3A_347] : memref<10485760xf32, #tpu.memory_space<hbm>> -> memref<40960xf32, #tpu.memory_space<hbm>>
    tpu.enqueue_dma source(%arg13 : memref<40960xf32, #tpu.memory_space<vmem>>) target(%dma_start3A_349 : memref<40960xf32, #tpu.memory_space<hbm>>) target_semaphore(%arg17 : memref<!tpu.dma_semaphore, #tpu.memory_space<semaphore_mem>>)
    %add3A_350 = arith.constant 56 : i32
    %add3A_351 = arith.addi %mul3A_2, %add3A_350 : i32
    %mul3A_352 = arith.constant 1280 : i32
    %mul3A_353 = arith.muli %add3A_351, %mul3A_352 : i32
    %dma_start3A_354 = tpu.memref_slice %arg7[%mul3A_353] : memref<2621440xi32, #tpu.memory_space<hbm>> -> memref<10240xi32, #tpu.memory_space<hbm>>
    %dma_start3A_355 = tpu.memref_slice %arg7[%mul3A_353] : memref<2621440xi32, #tpu.memory_space<hbm>> -> memref<10240xi32, #tpu.memory_space<hbm>>
    tpu.enqueue_dma source(%arg15 : memref<10240xi32, #tpu.memory_space<vmem>>) target(%dma_start3A_355 : memref<10240xi32, #tpu.memory_space<hbm>>) target_semaphore(%arg19 : memref<!tpu.dma_semaphore, #tpu.memory_space<semaphore_mem>>)
    %dma_wait3A_356 = tpu.memref_slice %arg6[%mul3A_303] : memref<10485760xf32, #tpu.memory_space<hbm>> -> memref<40960xf32, #tpu.memory_space<hbm>>
    %dma_wait3A_357 = tpu.memref_slice %arg6[%mul3A_303] : memref<10485760xf32, #tpu.memory_space<hbm>> -> memref<40960xf32, #tpu.memory_space<hbm>>
    tpu.wait_dma2 semaphore(%arg16 : memref<!tpu.dma_semaphore, #tpu.memory_space<semaphore_mem>>) src(%arg12 : memref<40960xf32, #tpu.memory_space<vmem>>) dst(%dma_wait3A_357 : memref<40960xf32, #tpu.memory_space<hbm>>)
    %dma_wait3A_358 = tpu.memref_slice %arg7[%mul3A_309] : memref<2621440xi32, #tpu.memory_space<hbm>> -> memref<10240xi32, #tpu.memory_space<hbm>>
    %dma_wait3A_359 = tpu.memref_slice %arg7[%mul3A_309] : memref<2621440xi32, #tpu.memory_space<hbm>> -> memref<10240xi32, #tpu.memory_space<hbm>>
    tpu.wait_dma2 semaphore(%arg18 : memref<!tpu.dma_semaphore, #tpu.memory_space<semaphore_mem>>) src(%arg14 : memref<10240xi32, #tpu.memory_space<vmem>>) dst(%dma_wait3A_359 : memref<10240xi32, #tpu.memory_space<hbm>>)
    %dma_wait3A_360 = tpu.memref_slice %arg6[%mul3A_347] : memref<10485760xf32, #tpu.memory_space<hbm>> -> memref<40960xf32, #tpu.memory_space<hbm>>
    %dma_wait3A_361 = tpu.memref_slice %arg6[%mul3A_347] : memref<10485760xf32, #tpu.memory_space<hbm>> -> memref<40960xf32, #tpu.memory_space<hbm>>
    tpu.wait_dma2 semaphore(%arg17 : memref<!tpu.dma_semaphore, #tpu.memory_space<semaphore_mem>>) src(%arg13 : memref<40960xf32, #tpu.memory_space<vmem>>) dst(%dma_wait3A_361 : memref<40960xf32, #tpu.memory_space<hbm>>)
    %dma_wait3A_362 = tpu.memref_slice %arg7[%mul3A_353] : memref<2621440xi32, #tpu.memory_space<hbm>> -> memref<10240xi32, #tpu.memory_space<hbm>>
    %dma_wait3A_363 = tpu.memref_slice %arg7[%mul3A_353] : memref<2621440xi32, #tpu.memory_space<hbm>> -> memref<10240xi32, #tpu.memory_space<hbm>>
    tpu.wait_dma2 semaphore(%arg19 : memref<!tpu.dma_semaphore, #tpu.memory_space<semaphore_mem>>) src(%arg15 : memref<10240xi32, #tpu.memory_space<vmem>>) dst(%dma_wait3A_363 : memref<10240xi32, #tpu.memory_space<hbm>>)
    return
  }
}

module attributes {stable_mosaic.version = 14 : i64} {
  func.func @_gate_kernel(%arg0: i32, %arg1: memref<256x1024xf32, #tpu.memory_space<vmem>>, %arg2: memref<8x1024xf32, #tpu.memory_space<vmem>>, %arg3: memref<256x2xi32, #tpu.memory_space<vmem>>, %arg4: memref<256x2xi32, #tpu.memory_space<vmem>>, %arg5: memref<256x2xi32, #tpu.memory_space<vmem>>, %arg6: memref<256x2xf32, #tpu.memory_space<vmem>>, %arg7: memref<256x2xi32, #tpu.memory_space<vmem>>, %arg8: memref<1x1xf32, #tpu.memory_space<vmem>>, %arg9: memref<1x1xf32, #tpu.memory_space<vmem>>, %arg10: memref<1x8xf32, #tpu.memory_space<vmem>>, %arg11: memref<1x8xf32, #tpu.memory_space<vmem>>, %arg12: memref<1x1xf32, #tpu.memory_space<vmem>>) attributes {dimension_semantics = [#tpu.dimension_semantics<arbitrary>], iteration_bounds = array<i64: 8>, scalar_prefetch = 0 : i64, scratch_operands = 3 : i64, tpu.core_type = #tpu.core_type<tc>, window_params = [{transform_indices = @transform_0, window_bounds = array<i64: 256, 1024>}, {pipeline_mode = #tpu.pipeline_mode<synchronous>, transform_indices = @transform_1, window_bounds = array<i64: 8, 1024>}, {transform_indices = @transform_2, window_bounds = array<i64: 256, 2>}, {transform_indices = @transform_3, window_bounds = array<i64: 256, 2>}, {transform_indices = @transform_4, window_bounds = array<i64: 256, 2>}, {transform_indices = @transform_5, window_bounds = array<i64: 256, 2>}, {transform_indices = @transform_6, window_bounds = array<i64: 256, 2>}, {pipeline_mode = #tpu.pipeline_mode<synchronous>, transform_indices = @transform_7, window_bounds = array<i64: 1, 1>}, {pipeline_mode = #tpu.pipeline_mode<synchronous>, transform_indices = @transform_8, window_bounds = array<i64: 1, 1>}]} {
    %eq3A = arith.constant 0 : i32
    %eq3A_0 = arith.cmpi eq, %arg0, %eq3A : i32
    %convert_element_type3A = arith.extui %eq3A_0 : i1 to i32
    %cond3A = arith.constant 0 : i32
    %cond3A_1 = arith.cmpi ne, %convert_element_type3A, %cond3A : i32
    scf.if %cond3A_1 {
      %broadcast_in_dim3A_233 = arith.constant 0.000000e+00 : f32
      %broadcast_in_dim3A_234 = vector.broadcast %broadcast_in_dim3A_233 : f32 to vector<1x8xf32>
      %swap3A_235 = arith.constant 0 : index
      %swap3A_236 = arith.constant 0 : index
      %swap3A_237 = vector.load %arg10[%swap3A_235, %swap3A_236] : memref<1x8xf32, #tpu.memory_space<vmem>>, vector<1x8xf32>
      tpu.vector_store %arg10[%swap3A_235, %swap3A_236], %broadcast_in_dim3A_234 {strides = array<i32>} : memref<1x8xf32, #tpu.memory_space<vmem>>, vector<1x8xf32>,
      %broadcast_in_dim3A_238 = arith.constant 0.000000e+00 : f32
      %broadcast_in_dim3A_239 = vector.broadcast %broadcast_in_dim3A_238 : f32 to vector<1x8xf32>
      %swap3A_240 = arith.constant 0 : index
      %swap3A_241 = arith.constant 0 : index
      %swap3A_242 = vector.load %arg11[%swap3A_240, %swap3A_241] : memref<1x8xf32, #tpu.memory_space<vmem>>, vector<1x8xf32>
      tpu.vector_store %arg11[%swap3A_240, %swap3A_241], %broadcast_in_dim3A_239 {strides = array<i32>} : memref<1x8xf32, #tpu.memory_space<vmem>>, vector<1x8xf32>,
      %broadcast_in_dim3A_243 = arith.constant 0.000000e+00 : f32
      %broadcast_in_dim3A_244 = vector.broadcast %broadcast_in_dim3A_243 : f32 to vector<1x1xf32>
      %swap3A_245 = arith.constant 0 : index
      %swap3A_246 = arith.constant 0 : index
      %swap3A_247 = vector.load %arg12[%swap3A_245, %swap3A_246] : memref<1x1xf32, #tpu.memory_space<vmem>>, vector<1x1xf32>
      tpu.vector_store %arg12[%swap3A_245, %swap3A_246], %broadcast_in_dim3A_244 {strides = array<i32>} : memref<1x1xf32, #tpu.memory_space<vmem>>, vector<1x1xf32>,
    } else {
    }
    %get3A = arith.constant 0 : index
    %get3A_2 = arith.constant 0 : index
    %get3A_3 = vector.load %arg1[%get3A, %get3A_2] : memref<256x1024xf32, #tpu.memory_space<vmem>>, vector<256x1024xf32>
    %get3A_4 = arith.constant 0 : index
    %get3A_5 = arith.constant 0 : index
    %get3A_6 = vector.load %arg2[%get3A_4, %get3A_5] : memref<8x1024xf32, #tpu.memory_space<vmem>>, vector<8x1024xf32>
    %dot_general3A = arith.constant dense<0.000000e+00> : vector<256x8xf32>
    %dot_general3A_7 = tpu.matmul %get3A_3, %get3A_6, %dot_general3A {dimension_numbers = #tpu.dot_dimension_numbers<[1], [1], [0], [0], [0, 0, 1, 0], [], []>, transpose_lhs_hint = false} : vector<256x1024xf32>, vector<8x1024xf32>, vector<256x8xf32> -> vector<256x8xf32>
    %iota3A = tpu.iota {dimensions = array<i32: 1>} : vector<256x8xi32>
    %reduce_max3A = arith.constant dense<0xFF800000> : vector<256xf32>
    %reduce_max3A_8 = vector.multi_reduction <maximumf>, %dot_general3A_7, %reduce_max3A [1] : vector<256x8xf32> to vector<256xf32>
    %broadcast_in_dim3A = vector.shape_cast %reduce_max3A_8 : vector<256xf32> to vector<256x1xf32>
    %eq3A_9 = vector.broadcast %broadcast_in_dim3A : vector<256x1xf32> to vector<256x8xf32>
    %eq3A_10 = arith.cmpf oeq, %dot_general3A_7, %eq3A_9 : vector<256x8xf32>
    %jit3A = arith.constant 8 : i32
    %broadcast_in_dim3A_11 = vector.broadcast %jit3A : i32 to vector<256x8xi32>
    %select_n3A = arith.select %eq3A_10, %iota3A, %broadcast_in_dim3A_11 : vector<256x8xi1>, vector<256x8xi32>
    %reduce_min3A = arith.constant dense<2147483647> : vector<256xi32>
    %reduce_min3A_12 = vector.multi_reduction <minsi>, %select_n3A, %reduce_min3A [1] : vector<256x8xi32> to vector<256xi32>
    %broadcast_in_dim3A_13 = vector.shape_cast %reduce_min3A_12 : vector<256xi32> to vector<256x1xi32>
    %eq3A_14 = vector.broadcast %broadcast_in_dim3A_13 : vector<256x1xi32> to vector<256x8xi32>
    %eq3A_15 = arith.cmpi eq, %iota3A, %eq3A_14 : vector<256x8xi32>
    %jit3A_16 = arith.constant 0xFF800000 : f32
    %broadcast_in_dim3A_17 = vector.broadcast %jit3A_16 : f32 to vector<256x8xf32>
    %select_n3A_18 = arith.select %eq3A_15, %broadcast_in_dim3A_17, %dot_general3A_7 : vector<256x8xi1>, vector<256x8xf32>
    %reduce_max3A_19 = arith.constant dense<0xFF800000> : vector<256xf32>
    %reduce_max3A_20 = vector.multi_reduction <maximumf>, %select_n3A_18, %reduce_max3A_19 [1] : vector<256x8xf32> to vector<256xf32>
    %broadcast_in_dim3A_21 = vector.shape_cast %reduce_max3A_20 : vector<256xf32> to vector<256x1xf32>
    %eq3A_22 = vector.broadcast %broadcast_in_dim3A_21 : vector<256x1xf32> to vector<256x8xf32>
    %eq3A_23 = arith.cmpf oeq, %select_n3A_18, %eq3A_22 : vector<256x8xf32>
    %jit3A_24 = arith.constant 8 : i32
    %broadcast_in_dim3A_25 = vector.broadcast %jit3A_24 : i32 to vector<256x8xi32>
    %select_n3A_26 = arith.select %eq3A_23, %iota3A, %broadcast_in_dim3A_25 : vector<256x8xi1>, vector<256x8xi32>
    %reduce_min3A_27 = arith.constant dense<2147483647> : vector<256xi32>
    %reduce_min3A_28 = vector.multi_reduction <minsi>, %select_n3A_26, %reduce_min3A_27 [1] : vector<256x8xi32> to vector<256xi32>
    %broadcast_in_dim3A_29 = vector.shape_cast %reduce_min3A_28 : vector<256xi32> to vector<256x1xi32>
    %sub3A = arith.subf %broadcast_in_dim3A_21, %broadcast_in_dim3A : vector<256x1xf32>
    %exp3A = math.exp %sub3A : vector<256x1xf32>
    %add3A = arith.constant 1.000000e+00 : f32
    %add3A_30 = vector.broadcast %add3A : f32 to vector<256x1xf32>
    %add3A_31 = arith.addf %add3A_30, %exp3A : vector<256x1xf32>
    %div3A = arith.constant 1.000000e+00 : f32
    %div3A_32 = vector.broadcast %div3A : f32 to vector<256x1xf32>
    %div3A_33 = arith.divf %div3A_32, %add3A_31 : vector<256x1xf32>
    %add3A_34 = arith.constant 1.000000e+00 : f32
    %add3A_35 = vector.broadcast %add3A_34 : f32 to vector<256x1xf32>
    %add3A_36 = arith.addf %add3A_35, %exp3A : vector<256x1xf32>
    %div3A_37 = arith.divf %exp3A, %add3A_36 : vector<256x1xf32>
    %sub3A_38 = vector.broadcast %broadcast_in_dim3A : vector<256x1xf32> to vector<256x8xf32>
    %sub3A_39 = arith.subf %dot_general3A_7, %sub3A_38 : vector<256x8xf32>
    %exp3A_40 = math.exp %sub3A_39 : vector<256x8xf32>
    %reduce_sum3A = arith.constant dense<0.000000e+00> : vector<256xf32>
    %reduce_sum3A_41 = vector.multi_reduction <add>, %exp3A_40, %reduce_sum3A [1] : vector<256x8xf32> to vector<256xf32>
    %broadcast_in_dim3A_42 = vector.shape_cast %reduce_sum3A_41 : vector<256xf32> to vector<256x1xf32>
    %div3A_43 = vector.broadcast %broadcast_in_dim3A_42 : vector<256x1xf32> to vector<256x8xf32>
    %div3A_44 = arith.divf %exp3A_40, %div3A_43 : vector<256x8xf32>
    %get3A_45 = arith.constant 0 : index
    %get3A_46 = arith.constant 0 : index
    %get3A_47 = vector.load %arg11[%get3A_45, %get3A_46] : memref<1x8xf32, #tpu.memory_space<vmem>>, vector<1x8xf32>
    %reduce_sum3A_48 = arith.constant dense<0.000000e+00> : vector<8xf32>
    %reduce_sum3A_49 = vector.multi_reduction <add>, %div3A_44, %reduce_sum3A_48 [0] : vector<256x8xf32> to vector<8xf32>
    %broadcast_in_dim3A_50 = vector.shape_cast %reduce_sum3A_49 : vector<8xf32> to vector<1x8xf32>
    %add3A_51 = arith.addf %get3A_47, %broadcast_in_dim3A_50 : vector<1x8xf32>
    %swap3A = arith.constant 0 : index
    %swap3A_52 = arith.constant 0 : index
    %swap3A_53 = vector.load %arg11[%swap3A, %swap3A_52] : memref<1x8xf32, #tpu.memory_space<vmem>>, vector<1x8xf32>
    tpu.vector_store %arg11[%swap3A, %swap3A_52], %add3A_51 {strides = array<i32>} : memref<1x8xf32, #tpu.memory_space<vmem>>, vector<1x8xf32>,
    %get3A_54 = arith.constant 0 : index
    %get3A_55 = arith.constant 0 : index
    %get3A_56 = vector.load %arg12[%get3A_54, %get3A_55] : memref<1x1xf32, #tpu.memory_space<vmem>>, vector<1x1xf32>
    %log3A = math.log %broadcast_in_dim3A_42 : vector<256x1xf32>
    %add3A_57 = arith.addf %broadcast_in_dim3A, %log3A : vector<256x1xf32>
    %reduce_sum3A_58 = vector.shape_cast %add3A_57 : vector<256x1xf32> to vector<1x256x1xf32>
    %reduce_sum3A_59 = arith.constant dense<0.000000e+00> : vector<1xf32>
    %reduce_sum3A_60 = vector.multi_reduction <add>, %reduce_sum3A_58, %reduce_sum3A_59 [1, 2] : vector<1x256x1xf32> to vector<1xf32>
    %reduce_sum3A_61 = vector.shape_cast %reduce_sum3A_60 : vector<1xf32> to vector<1x1x1xf32>
    %reduce_sum3A_62 = vector.extract %reduce_sum3A_61[0, 0, 0] : f32 from vector<1x1x1xf32>
    %reshape3A = vector.broadcast %reduce_sum3A_62 : f32 to vector<1x1xf32>
    %add3A_63 = arith.addf %get3A_56, %reshape3A : vector<1x1xf32>
    %swap3A_64 = arith.constant 0 : index
    %swap3A_65 = arith.constant 0 : index
    %swap3A_66 = vector.load %arg12[%swap3A_64, %swap3A_65] : memref<1x1xf32, #tpu.memory_space<vmem>>, vector<1x1xf32>
    tpu.vector_store %arg12[%swap3A_64, %swap3A_65], %add3A_63 {strides = array<i32>} : memref<1x1xf32, #tpu.memory_space<vmem>>, vector<1x1xf32>,
    %eq3A_67 = vector.broadcast %broadcast_in_dim3A_13 : vector<256x1xi32> to vector<256x8xi32>
    %eq3A_68 = arith.cmpi eq, %iota3A, %eq3A_67 : vector<256x8xi32>
    %convert_element_type3A_69 = arith.extui %eq3A_68 : vector<256x8xi1> to vector<256x8xi32>
    %convert_element_type3A_70 = arith.sitofp %convert_element_type3A_69 : vector<256x8xi32> to vector<256x8xf32>
    %eq3A_71 = vector.broadcast %broadcast_in_dim3A_29 : vector<256x1xi32> to vector<256x8xi32>
    %eq3A_72 = arith.cmpi eq, %iota3A, %eq3A_71 : vector<256x8xi32>
    %convert_element_type3A_73 = arith.extui %eq3A_72 : vector<256x8xi1> to vector<256x8xi32>
    %convert_element_type3A_74 = arith.sitofp %convert_element_type3A_73 : vector<256x8xi32> to vector<256x8xf32>
    %add3A_75 = arith.addf %convert_element_type3A_70, %convert_element_type3A_74 : vector<256x8xf32>
    %iota3A_76 = tpu.iota {dimensions = array<i32: 0>} : vector<256x256xi32>
    %iota3A_77 = tpu.iota {dimensions = array<i32: 1>} : vector<256x256xi32>
    %gt3A = arith.cmpi sgt, %iota3A_76, %iota3A_77 : vector<256x256xi32>
    %convert_element_type3A_78 = arith.extui %gt3A : vector<256x256xi1> to vector<256x256xi32>
    %convert_element_type3A_79 = arith.sitofp %convert_element_type3A_78 : vector<256x256xi32> to vector<256x256xf32>
    %dot_general3A_80 = arith.constant dense<0.000000e+00> : vector<256x8xf32>
    %dot_general3A_81 = tpu.matmul %convert_element_type3A_79, %add3A_75, %dot_general3A_80 {dimension_numbers = #tpu.dot_dimension_numbers<[1], [0], [0], [1], [0, 0, 1, 1], [], []>, transpose_lhs_hint = false} : vector<256x256xf32>, vector<256x8xf32>, vector<256x8xf32> -> vector<256x8xf32>
    %get3A_82 = arith.constant 0 : index
    %get3A_83 = arith.constant 0 : index
    %get3A_84 = vector.load %arg10[%get3A_82, %get3A_83] : memref<1x8xf32, #tpu.memory_space<vmem>>, vector<1x8xf32>
    %add3A_85 = vector.broadcast %get3A_84 : vector<1x8xf32> to vector<256x8xf32>
    %add3A_86 = arith.addf %dot_general3A_81, %add3A_85 : vector<256x8xf32>
    %eq3A_87 = vector.broadcast %broadcast_in_dim3A_13 : vector<256x1xi32> to vector<256x8xi32>
    %eq3A_88 = arith.cmpi eq, %iota3A, %eq3A_87 : vector<256x8xi32>
    %jit3A_89 = arith.constant 0.000000e+00 : f32
    %broadcast_in_dim3A_90 = vector.broadcast %jit3A_89 : f32 to vector<256x8xf32>
    %select_n3A_91 = arith.select %eq3A_88, %add3A_86, %broadcast_in_dim3A_90 : vector<256x8xi1>, vector<256x8xf32>
    %reduce_sum3A_92 = arith.constant dense<0.000000e+00> : vector<256xf32>
    %reduce_sum3A_93 = vector.multi_reduction <add>, %select_n3A_91, %reduce_sum3A_92 [1] : vector<256x8xf32> to vector<256xf32>
    %broadcast_in_dim3A_94 = vector.shape_cast %reduce_sum3A_93 : vector<256xf32> to vector<256x1xf32>
    %eq3A_95 = vector.broadcast %broadcast_in_dim3A_29 : vector<256x1xi32> to vector<256x8xi32>
    %eq3A_96 = arith.cmpi eq, %iota3A, %eq3A_95 : vector<256x8xi32>
    %jit3A_97 = arith.constant 0.000000e+00 : f32
    %broadcast_in_dim3A_98 = vector.broadcast %jit3A_97 : f32 to vector<256x8xf32>
    %select_n3A_99 = arith.select %eq3A_96, %add3A_86, %broadcast_in_dim3A_98 : vector<256x8xi1>, vector<256x8xf32>
    %reduce_sum3A_100 = arith.constant dense<0.000000e+00> : vector<256xf32>
    %reduce_sum3A_101 = vector.multi_reduction <add>, %select_n3A_99, %reduce_sum3A_100 [1] : vector<256x8xf32> to vector<256xf32>
    %broadcast_in_dim3A_102 = vector.shape_cast %reduce_sum3A_101 : vector<256xf32> to vector<256x1xf32>
    %convert_element_type3A_103 = arith.fptosi %broadcast_in_dim3A_94 : vector<256x1xf32> to vector<256x1xi32>
    %convert_element_type3A_104 = arith.fptosi %broadcast_in_dim3A_102 : vector<256x1xf32> to vector<256x1xi32>
    %get3A_105 = arith.constant 0 : index
    %get3A_106 = arith.constant 0 : index
    %get3A_107 = vector.load %arg10[%get3A_105, %get3A_106] : memref<1x8xf32, #tpu.memory_space<vmem>>, vector<1x8xf32>
    %reduce_sum3A_108 = arith.constant dense<0.000000e+00> : vector<8xf32>
    %reduce_sum3A_109 = vector.multi_reduction <add>, %add3A_75, %reduce_sum3A_108 [0] : vector<256x8xf32> to vector<8xf32>
    %broadcast_in_dim3A_110 = vector.shape_cast %reduce_sum3A_109 : vector<8xf32> to vector<1x8xf32>
    %add3A_111 = arith.addf %get3A_107, %broadcast_in_dim3A_110 : vector<1x8xf32>
    %swap3A_112 = arith.constant 0 : index
    %swap3A_113 = arith.constant 0 : index
    %swap3A_114 = vector.load %arg10[%swap3A_112, %swap3A_113] : memref<1x8xf32, #tpu.memory_space<vmem>>, vector<1x8xf32>
    tpu.vector_store %arg10[%swap3A_112, %swap3A_113], %add3A_111 {strides = array<i32>} : memref<1x8xf32, #tpu.memory_space<vmem>>, vector<1x8xf32>,
    %concatenate3A = tpu.concatenate %broadcast_in_dim3A_13, %broadcast_in_dim3A_29 in 1 : vector<256x1xi32>, vector<256x1xi32> -> vector<256x2xi32>
    %swap3A_115 = arith.constant 0 : index
    %swap3A_116 = arith.constant 0 : index
    %swap3A_117 = vector.load %arg3[%swap3A_115, %swap3A_116] : memref<256x2xi32, #tpu.memory_space<vmem>>, vector<256x2xi32>
    tpu.vector_store %arg3[%swap3A_115, %swap3A_116], %concatenate3A {strides = array<i32>} : memref<256x2xi32, #tpu.memory_space<vmem>>, vector<256x2xi32>,
    %mul3A = arith.constant 640 : i32
    %mul3A_118 = vector.broadcast %mul3A : i32 to vector<256x1xi32>
    %mul3A_119 = arith.muli %broadcast_in_dim3A_13, %mul3A_118 : vector<256x1xi32>
    %min3A = arith.constant 639 : i32
    %min3A_120 = vector.broadcast %min3A : i32 to vector<256x1xi32>
    %min3A_121 = arith.minsi %convert_element_type3A_103, %min3A_120 : vector<256x1xi32>
    %add3A_122 = arith.addi %mul3A_119, %min3A_121 : vector<256x1xi32>
    %mul3A_123 = arith.constant 640 : i32
    %mul3A_124 = vector.broadcast %mul3A_123 : i32 to vector<256x1xi32>
    %mul3A_125 = arith.muli %broadcast_in_dim3A_29, %mul3A_124 : vector<256x1xi32>
    %min3A_126 = arith.constant 639 : i32
    %min3A_127 = vector.broadcast %min3A_126 : i32 to vector<256x1xi32>
    %min3A_128 = arith.minsi %convert_element_type3A_104, %min3A_127 : vector<256x1xi32>
    %add3A_129 = arith.addi %mul3A_125, %min3A_128 : vector<256x1xi32>
    %concatenate3A_130 = tpu.concatenate %add3A_122, %add3A_129 in 1 : vector<256x1xi32>, vector<256x1xi32> -> vector<256x2xi32>
    %swap3A_131 = arith.constant 0 : index
    %swap3A_132 = arith.constant 0 : index
    %swap3A_133 = vector.load %arg4[%swap3A_131, %swap3A_132] : memref<256x2xi32, #tpu.memory_space<vmem>>, vector<256x2xi32>
    tpu.vector_store %arg4[%swap3A_131, %swap3A_132], %concatenate3A_130 {strides = array<i32>} : memref<256x2xi32, #tpu.memory_space<vmem>>, vector<256x2xi32>,
    %shift_right_arithmetic3A = arith.constant 2 : i32
    %shift_right_arithmetic3A_134 = vector.broadcast %shift_right_arithmetic3A : i32 to vector<256x1xi32>
    %shift_right_arithmetic3A_135 = arith.shrsi %add3A_122, %shift_right_arithmetic3A_134 : vector<256x1xi32>
    %shift_right_arithmetic3A_136 = arith.constant 2 : i32
    %shift_right_arithmetic3A_137 = vector.broadcast %shift_right_arithmetic3A_136 : i32 to vector<256x1xi32>
    %shift_right_arithmetic3A_138 = arith.shrsi %add3A_129, %shift_right_arithmetic3A_137 : vector<256x1xi32>
    %concatenate3A_139 = tpu.concatenate %shift_right_arithmetic3A_135, %shift_right_arithmetic3A_138 in 1 : vector<256x1xi32>, vector<256x1xi32> -> vector<256x2xi32>
    %swap3A_140 = arith.constant 0 : index
    %swap3A_141 = arith.constant 0 : index
    %swap3A_142 = vector.load %arg5[%swap3A_140, %swap3A_141] : memref<256x2xi32, #tpu.memory_space<vmem>>, vector<256x2xi32>
    tpu.vector_store %arg5[%swap3A_140, %swap3A_141], %concatenate3A_139 {strides = array<i32>} : memref<256x2xi32, #tpu.memory_space<vmem>>, vector<256x2xi32>,
    %lt3A = arith.constant 640 : i32
    %lt3A_143 = vector.broadcast %lt3A : i32 to vector<256x1xi32>
    %lt3A_144 = arith.cmpi slt, %convert_element_type3A_103, %lt3A_143 : vector<256x1xi32>
    %jit3A_145 = arith.constant 0.000000e+00 : f32
    %broadcast_in_dim3A_146 = vector.broadcast %jit3A_145 : f32 to vector<256x1xf32>
    %select_n3A_147 = arith.select %lt3A_144, %div3A_33, %broadcast_in_dim3A_146 : vector<256x1xi1>, vector<256x1xf32>
    %lt3A_148 = arith.constant 640 : i32
    %lt3A_149 = vector.broadcast %lt3A_148 : i32 to vector<256x1xi32>
    %lt3A_150 = arith.cmpi slt, %convert_element_type3A_104, %lt3A_149 : vector<256x1xi32>
    %jit3A_151 = arith.constant 0.000000e+00 : f32
    %broadcast_in_dim3A_152 = vector.broadcast %jit3A_151 : f32 to vector<256x1xf32>
    %select_n3A_153 = arith.select %lt3A_150, %div3A_37, %broadcast_in_dim3A_152 : vector<256x1xi1>, vector<256x1xf32>
    %concatenate3A_154 = tpu.concatenate %select_n3A_147, %select_n3A_153 in 1 : vector<256x1xf32>, vector<256x1xf32> -> vector<256x2xf32>
    %swap3A_155 = arith.constant 0 : index
    %swap3A_156 = arith.constant 0 : index
    %swap3A_157 = vector.load %arg6[%swap3A_155, %swap3A_156] : memref<256x2xf32, #tpu.memory_space<vmem>>, vector<256x2xf32>
    tpu.vector_store %arg6[%swap3A_155, %swap3A_156], %concatenate3A_154 {strides = array<i32>} : memref<256x2xf32, #tpu.memory_space<vmem>>, vector<256x2xf32>,
    %lt3A_158 = arith.constant 640 : i32
    %lt3A_159 = vector.broadcast %lt3A_158 : i32 to vector<256x1xi32>
    %lt3A_160 = arith.cmpi slt, %convert_element_type3A_103, %lt3A_159 : vector<256x1xi32>
    %and3A = arith.constant 3 : i32
    %and3A_161 = vector.broadcast %and3A : i32 to vector<256x1xi32>
    %and3A_162 = arith.andi %add3A_122, %and3A_161 : vector<256x1xi32>
    %mul3A_163 = arith.constant 8 : i32
    %mul3A_164 = vector.broadcast %mul3A_163 : i32 to vector<256x1xi32>
    %mul3A_165 = arith.muli %and3A_162, %mul3A_164 : vector<256x1xi32>
    %shift_left3A = arith.constant 1 : i32
    %shift_left3A_166 = vector.broadcast %shift_left3A : i32 to vector<256x1xi32>
    %shift_left3A_167 = arith.shli %shift_left3A_166, %mul3A_165 : vector<256x1xi32>
    %jit3A_168 = arith.constant 0 : i32
    %broadcast_in_dim3A_169 = vector.broadcast %jit3A_168 : i32 to vector<256x1xi32>
    %select_n3A_170 = arith.select %lt3A_160, %shift_left3A_167, %broadcast_in_dim3A_169 : vector<256x1xi1>, vector<256x1xi32>
    %lt3A_171 = arith.constant 640 : i32
    %lt3A_172 = vector.broadcast %lt3A_171 : i32 to vector<256x1xi32>
    %lt3A_173 = arith.cmpi slt, %convert_element_type3A_104, %lt3A_172 : vector<256x1xi32>
    %and3A_174 = arith.constant 3 : i32
    %and3A_175 = vector.broadcast %and3A_174 : i32 to vector<256x1xi32>
    %and3A_176 = arith.andi %add3A_129, %and3A_175 : vector<256x1xi32>
    %mul3A_177 = arith.constant 8 : i32
    %mul3A_178 = vector.broadcast %mul3A_177 : i32 to vector<256x1xi32>
    %mul3A_179 = arith.muli %and3A_176, %mul3A_178 : vector<256x1xi32>
    %shift_left3A_180 = arith.constant 1 : i32
    %shift_left3A_181 = vector.broadcast %shift_left3A_180 : i32 to vector<256x1xi32>
    %shift_left3A_182 = arith.shli %shift_left3A_181, %mul3A_179 : vector<256x1xi32>
    %jit3A_183 = arith.constant 0 : i32
    %broadcast_in_dim3A_184 = vector.broadcast %jit3A_183 : i32 to vector<256x1xi32>
    %select_n3A_185 = arith.select %lt3A_173, %shift_left3A_182, %broadcast_in_dim3A_184 : vector<256x1xi1>, vector<256x1xi32>
    %concatenate3A_186 = tpu.concatenate %select_n3A_170, %select_n3A_185 in 1 : vector<256x1xi32>, vector<256x1xi32> -> vector<256x2xi32>
    %swap3A_187 = arith.constant 0 : index
    %swap3A_188 = arith.constant 0 : index
    %swap3A_189 = vector.load %arg7[%swap3A_187, %swap3A_188] : memref<256x2xi32, #tpu.memory_space<vmem>>, vector<256x2xi32>
    tpu.vector_store %arg7[%swap3A_187, %swap3A_188], %concatenate3A_186 {strides = array<i32>} : memref<256x2xi32, #tpu.memory_space<vmem>>, vector<256x2xi32>,
    %get3A_190 = arith.constant 0 : index
    %get3A_191 = arith.constant 0 : index
    %get3A_192 = vector.load %arg10[%get3A_190, %get3A_191] : memref<1x8xf32, #tpu.memory_space<vmem>>, vector<1x8xf32>
    %min3A_193 = arith.constant 6.400000e+02 : f32
    %min3A_194 = vector.broadcast %min3A_193 : f32 to vector<1x8xf32>
    %min3A_195 = arith.minimumf %get3A_192, %min3A_194 : vector<1x8xf32>
    %reduce_sum3A_196 = vector.shape_cast %min3A_195 : vector<1x8xf32> to vector<1x1x8xf32>
    %reduce_sum3A_197 = arith.constant dense<0.000000e+00> : vector<1xf32>
    %reduce_sum3A_198 = vector.multi_reduction <add>, %reduce_sum3A_196, %reduce_sum3A_197 [1, 2] : vector<1x1x8xf32> to vector<1xf32>
    %reduce_sum3A_199 = vector.shape_cast %reduce_sum3A_198 : vector<1xf32> to vector<1x1x1xf32>
    %reduce_sum3A_200 = vector.extract %reduce_sum3A_199[0, 0, 0] : f32 from vector<1x1x1xf32>
    %div3A_201 = vector.broadcast %reduce_sum3A_200 : f32 to vector<1x8xf32>
    %div3A_202 = arith.divf %min3A_195, %div3A_201 : vector<1x8xf32>
    %get3A_203 = arith.constant 0 : index
    %get3A_204 = arith.constant 0 : index
    %get3A_205 = vector.load %arg11[%get3A_203, %get3A_204] : memref<1x8xf32, #tpu.memory_space<vmem>>, vector<1x8xf32>
    %div3A_206 = arith.constant 2.048000e+03 : f32
    %div3A_207 = vector.broadcast %div3A_206 : f32 to vector<1x8xf32>
    %div3A_208 = arith.divf %get3A_205, %div3A_207 : vector<1x8xf32>
    %mul3A_209 = arith.mulf %div3A_208, %div3A_202 : vector<1x8xf32>
    %reduce_sum3A_210 = vector.shape_cast %mul3A_209 : vector<1x8xf32> to vector<1x1x8xf32>
    %reduce_sum3A_211 = arith.constant dense<0.000000e+00> : vector<1xf32>
    %reduce_sum3A_212 = vector.multi_reduction <add>, %reduce_sum3A_210, %reduce_sum3A_211 [1, 2] : vector<1x1x8xf32> to vector<1xf32>
    %reduce_sum3A_213 = vector.shape_cast %reduce_sum3A_212 : vector<1xf32> to vector<1x1x1xf32>
    %reduce_sum3A_214 = vector.extract %reduce_sum3A_213[0, 0, 0] : f32 from vector<1x1x1xf32>
    %mul3A_215 = arith.constant 8.000000e-02 : f32
    %mul3A_216 = arith.mulf %mul3A_215, %reduce_sum3A_214 : f32
    %reshape3A_217 = vector.broadcast %mul3A_216 : f32 to vector<1x1xf32>
    %swap3A_218 = arith.constant 0 : index
    %swap3A_219 = arith.constant 0 : index
    %swap3A_220 = vector.load %arg8[%swap3A_218, %swap3A_219] : memref<1x1xf32, #tpu.memory_space<vmem>>, vector<1x1xf32>
    tpu.vector_store %arg8[%swap3A_218, %swap3A_219], %reshape3A_217 {strides = array<i32>} : memref<1x1xf32, #tpu.memory_space<vmem>>, vector<1x1xf32>,
    %get3A_221 = arith.constant 0 : index
    %get3A_222 = arith.constant 0 : index
    %get3A_223 = vector.load %arg12[%get3A_221, %get3A_222] : memref<1x1xf32, #tpu.memory_space<vmem>>, vector<1x1xf32>
    %mul3A_224 = arith.constant 1.000000e-03 : f32
    %mul3A_225 = vector.broadcast %mul3A_224 : f32 to vector<1x1xf32>
    %mul3A_226 = arith.mulf %mul3A_225, %get3A_223 : vector<1x1xf32>
    %div3A_227 = arith.constant 2.048000e+03 : f32
    %div3A_228 = vector.broadcast %div3A_227 : f32 to vector<1x1xf32>
    %div3A_229 = arith.divf %mul3A_226, %div3A_228 : vector<1x1xf32>
    %swap3A_230 = arith.constant 0 : index
    %swap3A_231 = arith.constant 0 : index
    %swap3A_232 = vector.load %arg9[%swap3A_230, %swap3A_231] : memref<1x1xf32, #tpu.memory_space<vmem>>, vector<1x1xf32>
    tpu.vector_store %arg9[%swap3A_230, %swap3A_231], %div3A_229 {strides = array<i32>} : memref<1x1xf32, #tpu.memory_space<vmem>>, vector<1x1xf32>,
    return
  }
  func.func @transform_0(%arg0: i32) -> (i32, i32) {
    %c0_i32 = arith.constant 0 : i32
    %c0_i32_0 = arith.constant 0 : i32
    return %arg0, %c0_i32 : i32, i32
  }
  func.func @transform_1(%arg0: i32) -> (i32, i32) {
    %c0_i32 = arith.constant 0 : i32
    %c0_i32_0 = arith.constant 0 : i32
    %c0_i32_1 = arith.constant 0 : i32
    return %c0_i32, %c0_i32_0 : i32, i32
  }
  func.func @transform_2(%arg0: i32) -> (i32, i32) {
    %c0_i32 = arith.constant 0 : i32
    %c0_i32_0 = arith.constant 0 : i32
    return %arg0, %c0_i32 : i32, i32
  }
  func.func @transform_3(%arg0: i32) -> (i32, i32) {
    %c0_i32 = arith.constant 0 : i32
    %c0_i32_0 = arith.constant 0 : i32
    return %arg0, %c0_i32 : i32, i32
  }
  func.func @transform_4(%arg0: i32) -> (i32, i32) {
    %c0_i32 = arith.constant 0 : i32
    %c0_i32_0 = arith.constant 0 : i32
    return %arg0, %c0_i32 : i32, i32
  }
  func.func @transform_5(%arg0: i32) -> (i32, i32) {
    %c0_i32 = arith.constant 0 : i32
    %c0_i32_0 = arith.constant 0 : i32
    return %arg0, %c0_i32 : i32, i32
  }
  func.func @transform_6(%arg0: i32) -> (i32, i32) {
    %c0_i32 = arith.constant 0 : i32
    %c0_i32_0 = arith.constant 0 : i32
    return %arg0, %c0_i32 : i32, i32
  }
  func.func @transform_7(%arg0: i32) -> (i32, i32) {
    %c0_i32 = arith.constant 0 : i32
    %c0_i32_0 = arith.constant 0 : i32
    %c0_i32_1 = arith.constant 0 : i32
    return %c0_i32, %c0_i32_0 : i32, i32
  }
  func.func @transform_8(%arg0: i32) -> (i32, i32) {
    %c0_i32 = arith.constant 0 : i32
    %c0_i32_0 = arith.constant 0 : i32
    %c0_i32_1 = arith.constant 0 : i32
    return %c0_i32, %c0_i32_0 : i32, i32
  }
}

</mosaic_0001>

<sc_bundles>
// kernel: kernel.4.cloned.1.call-start
scs
__scs_entry_jumppad:
0x0: {  	(pc) =	sbr.rel $0x88, $3  }
0x1: {  	(tag) =	ssettag $0x0;
	lr =	simm.s32 $0x1  }
0x2: {  	[smem:$0x3F9F] =	sst lr;
	_ =	strace $0xD0000000  }
0x3: {  	_ = 	snop  }
0x4: {  	_ = 	snop  }
0x5: {  	_ = 	snop  }
0x6: {  	_ = 	snop  }
0x7: {  	_ = 	snop  }
__scs_overlays_trampoline_lowered:
0x8: {  	[smem:$0x3FAE] =	sst s0  }
0x9: {  	[smem:$0x3FAF] =	sst s1  }
0xa: {  	[smem:$0x3FB0] =	sst s2  }
0xb: {  	[smem:$0x3FB1] =	sst s3  }
0xc: {  	[smem:$0x3FB2] =	sst s4  }
0xd: {  	[smem:$0x3FB3] =	sst s5  }
0xe: {  	[smem:$0x3FB4] =	sst s6  }
0xf: {  	[smem:$0x3FB5] =	sst s7  }
0x10: {  	[smem:$0x3FB6] =	sst s8  }
0x11: {  	[smem:$0x3FB7] =	sst s9;
	s0 =	simm.s32 @!p0 $0x0  }
0x12: {  	s1 =	sld [smem:$0x3F9D];
	s0 =	simm.s32 @p0 $0x1  }
0x13: {  	[smem:$0x3FB8] =	sst s0;
	s0 =	simm.s32 @!p1 $0x0  }
0x14: {  	s2 =	sld [smem:$0x3F9C];
	s0 =	simm.s32 @p1 $0x1  }
0x15: {  	[smem:$0x3FB9] =	sst s0;
	s0 =	simm.s32 @!p2 $0x0  }
0x16: {  	s3 =	sld [smem:$0x3FDB];
	s0 =	simm.s32 @p2 $0x1  }
0x17: {  	s4 =	simm.s32 $0x1BF5;
	[smem:$0x3FBB] =	sst s0  }
0x18: {  	s0 =	sld [smem:$0x3F9E];
	_ =	swait.ge [sflag:s4], $0x0  }
0x19: {  	s7 =	sld [smem:$0x3F9F]  }
0x1a: {  	s8 =	sadd.s32 $0xFFFFE003, lr  }
0x1b: {  	s9 =	sadd.s32 $0xFFFFFEF7, lr;
	s5 =	simm.s32 $0xFFFFFFFF;
	p2 =	slt.u32 s8, $0xFFFFF086  }
0x1c: {  	p1 =	slt.u32 s9, $0xF7A;
	s5 =	simm.s32 @!p2 $0x0  }
0x1d: {  	s5 =	simm.s32 @p1 $0x1;
	p0 =	seq.s32 s7, s2  }
0x1e: {  	s7 =	smul.u32 @!p0 $0xF7A, s2;
	p2 =	seq.s32 @!p0 s5, $0x0  }
0x1f: {  	s9 =	smul.u32 $0xF7A, s1;
	s8 =	simm.s32 @!p0 $0x1BF5;
	p2 =	por !p2, p0  }
0x20: {  	[sflag:s8] =	ssyncset.s32 @!p0 $0xFFFFF086;
	s6 =	sadd.s32 @!p0 s3, s7;
	s7 =	simm.s32 @!p0 $0x108  }
0x21: {  	s3 =	sadd.s32 s3, s9;
	s6 =	sadd.s32 @!p0 $0x88, s6;
	s7 =	simm.s32 @p2 $0x1082  }
0x22: {  	[simem:s7], [sflag:s8] =	dma.local @!p0 [hbm:s6], $0xF7A  }
0x23: {  	s9 =	sor.u32 $0xD0000000, s2;
	s6 =	simm.s32 $0x108;
	_ =	swait.ge @!p0 [sflag:s8], $0x0  }
0x24: {  	s3 =	sadd.s32 $0x88, s3;
	s6 =	simm.s32 @!p1 $0x1082;
	[sflag:s4] =	ssyncset.s32 $0xFFFFF086  }
0x25: {  	[simem:s6], [sflag:s4] =	dma.local [hbm:s3], $0xF7A  }
0x26: {  	[smem:$0x3F9F] =	sst s1;
	(tag) =	ssettag s2;
	_ =	strace s9  }
0x27: {  	s1 =	sld [smem:$0x3FAF]  }
0x28: {  	s2 =	sld [smem:$0x3FB0]  }
0x29: {  	s4 =	sld [smem:$0x3FB2]  }
0x2a: {  	p0 =	seq.s32 s5, $0x0;
	s5 =	sld [smem:$0x3FB3]  }
0x2b: {  	s6 =	sld [smem:$0x3FB4]  }
0x2c: {  	s7 =	sld [smem:$0x3FB5]  }
0x2d: {  	s3 =	simm.s32 $0x108;
	s8 =	sld [smem:$0x3FB6]  }
0x2e: {  	s3 =	simm.s32 @!p0 $0x1082;
	s9 =	sld [smem:$0x3FB7]  }
0x2f: {  	lr =	sadd.s32 s0, s3;
	s0 =	sld [smem:$0x3FAE]  }
0x30: {  	s3 =	sld [smem:$0x3FB1]  }
0x31: {  	[smem:$0x3FBA] =	sst s10  }
0x32: {  	s10 =	sld [smem:$0x3FB8];
	_ =	sdelay $0x3  }
0x33: {  	p0 =	seq.s32 s10, $0x1;
	s10 =	sld [smem:$0x3FBA];
	_ =	sdelay $0x3  }
0x34: {  	[smem:$0x3FBA] =	sst s10  }
0x35: {  	s10 =	sld [smem:$0x3FB9];
	_ =	sdelay $0x3  }
0x36: {  	p1 =	seq.s32 s10, $0x1;
	s10 =	sld [smem:$0x3FBA];
	_ =	sdelay $0x3  }
0x37: {  	[smem:$0x3FBA] =	sst s10  }
0x38: {  	s10 =	sld [smem:$0x3FBB]  }
0x39: {  	_ = 	snop;
	(pc) =	sbr.ind lr, $3  }
0x3a: {  	_ = 	snop  }
0x3b: {  	_ = 	snop  }
0x3c: {  	p2 =	seq.s32 s10, $0x1;
	s10 =	sld [smem:$0x3FBA]  }
0x3d: {  	_ =	shalt  }
0x3e: {  	_ =	shalt  }
0x3f: {  	_ =	shalt  }
0x40: {  	_ =	shalt  }
0x41: {  	_ =	shalt  }
0x42: {  	_ =	shalt  }
0x43: {  	_ =	shalt  }
0x44: {  	_ =	shalt  }
0x45: {  	_ =	shalt  }
0x46: {  	_ =	shalt  }
0x47: {  	_ =	shalt  }
0x48: {  	_ =	shalt  }
0x49: {  	_ =	shalt  }
0x4a: {  	_ =	shalt  }
0x4b: {  	_ =	shalt  }
0x4c: {  	_ =	shalt  }
0x4d: {  	_ =	shalt  }
0x4e: {  	_ =	shalt  }
0x4f: {  	_ =	shalt  }
0x50: {  	_ =	shalt  }
0x51: {  	_ =	shalt  }
0x52: {  	_ =	shalt  }
0x53: {  	_ =	shalt  }
0x54: {  	_ =	shalt  }
0x55: {  	_ =	shalt  }
0x56: {  	_ =	shalt  }
0x57: {  	_ =	shalt  }
0x58: {  	_ =	shalt  }
0x59: {  	_ =	shalt  }
0x5a: {  	_ =	shalt  }
0x5b: {  	_ =	shalt  }
0x5c: {  	_ =	shalt  }
0x5d: {  	_ =	shalt  }
0x5e: {  	_ =	shalt  }
0x5f: {  	_ =	shalt  }
0x60: {  	_ =	shalt  }
0x61: {  	_ =	shalt  }
0x62: {  	_ =	shalt  }
0x63: {  	_ =	shalt  }
0x64: {  	_ =	shalt  }
0x65: {  	_ =	shalt  }
0x66: {  	_ =	shalt  }
0x67: {  	_ =	shalt  }
0x68: {  	_ =	shalt  }
0x69: {  	_ =	shalt  }
0x6a: {  	_ =	shalt  }
0x6b: {  	_ =	shalt  }
0x6c: {  	_ =	shalt  }
0x6d: {  	_ =	shalt  }
0x6e: {  	_ =	shalt  }
0x6f: {  	_ =	shalt  }
0x70: {  	_ =	shalt  }
0x71: {  	_ =	shalt  }
0x72: {  	_ =	shalt  }
0x73: {  	_ =	shalt  }
0x74: {  	_ =	shalt  }
0x75: {  	_ =	shalt  }
0x76: {  	_ =	shalt  }
0x77: {  	_ =	shalt  }
0x78: {  	_ =	shalt  }
0x79: {  	_ =	shalt  }
0x7a: {  	_ =	shalt  }
0x7b: {  	_ =	shalt  }
0x7c: {  	_ =	shalt  }
0x7d: {  	_ =	shalt  }
0x7e: {  	_ =	shalt  }
0x7f: {  	_ =	shalt  }
0x80: {  	_ =	shalt  }
0x81: {  	_ =	shalt  }
0x82: {  	_ =	shalt  }
0x83: {  	_ =	shalt  }
0x84: {  	_ =	shalt  }
0x85: {  	_ =	shalt  }
0x86: {  	_ =	shalt  }
0x87: {  	_ =	shalt  }
.Lfunc_end0:
.L_simem_size_0:
called_computation_lowered:
.L_overlay_start_0:
0x88: {  	s2 =	sld [smem:$0x3FD9]  }
0x89: {  	s3 =	sld [smem:$0x3FFE];
	_ =	sdelay $0x1  }
0x8a: {  	s1 =	srdreg.scid  }
0x8b: {  	s0 =	sand.u32 $0x1, s1  }
0x8c: {  	s14 =	sshll.u32 s0, $0xA;
	s2 =	sadd.s32 s3, s2  }
0x8d: {  	s2 =	sadd.s32 s2, s14  }
0x8e: {  	[smem:$0x3FC6] =	sst s2  }
0x8f: {  	_ = 	snop  }
0x90: {  	s2 =	sld [smem:$0x3FD0];
	_ =	sdelay $0x2  }
0x91: {  	s15 =	simm.s32 $0xA;
	s4 =	simm.s32 $0x10  }
0x92: {  	[smem:s4], [sflag:s15] =	dma.local [hbm:s2], $0x1  }
0x93: {  	_ =	swait.eq [sflag:s15], $0x1  }
0x94: {  	[sflag:s15] =	ssyncset.done $0x0  }
0x95: {  	s16 =	sld [smem:$0x10];
	[sflag:s15] =	ssyncadd.s32 $0xFFFFFFFF  }
0x96: {  	s17 =	sld [smem:$0x11];
	(tm) =	ssettm $0x1  }
0x97: {  	s18 =	sld [smem:$0x3FFB];
	_ =	sdelay $0x3  }
0x98: {  	_ =	strace s18  }
0x99: {  	s4 =	sld [smem:$0x3FFC];
	_ =	sdelay $0x3  }
0x9a: {  	_ =	strace s4  }
0x9b: {  	s4 =	sld [smem:$0x3FFD];
	_ =	sdelay $0x3  }
0x9c: {  	_ =	strace s4  }
0x9d: {  	_ =	strace $0x8FFFFFFF  }
0x9e: {  	s19 =	sld [smem:$0x3FDB];
	_ =	sdelay $0x1  }
0x9f: {  	s5 =	simm.s32 $_scs_section_size  }
0xa0: {  	s6 =	simm.s32 $_size__tile_overlayer_lowered;
	s7 =	simm.s32 $_tile_overlayer_lowered  }
0xa1: {  	s22 =	simm.s32 $0x1BFF;
	s21 =	sshll.u32 s7, $0x1;
	s4 =	sadd.s32 s5, s19  }
0xa2: {  	s8 =	simm.s32 $0x0;
	s20 =	sshll.u32 s6, $0x1;
	s6 =	sadd.s32 s21, s4  }
0xa3: {  	[timem:s8], [sflag:s22] =	dma.local [hbm:s6], s20  }
0xa4: {  	_ =	swait.ge [sflag:s22], s20  }
0xa5: {  	s5 =	ssub.s32 $0x0, s20;
	[sflag:s22] =	ssyncset.done $0x0  }
0xa6: {  	[sflag:s22] =	ssyncadd.s32 s5;
	_ =	sdelay $0x1  }
0xa7: {  	s23 =	simm.s32 $0x1B8B  }
0xa8: {  	_ =	swait.ge [sflag:s23], $0x1  }
0xa9: {  	[sflag:s23] =	ssyncset.done $0x0  }
0xaa: {  	s25 =	simm.s32 $0x1B8E;
	s24 =	sld [smem:$0x3FFE];
	[sflag:s23] =	ssyncadd.s32 $0xFFFFFFFF  }
0xab: {  	s26 =	simm.s32 $execute0_lowered;
	[smem:$0x3FD2] =	sst s25  }
0xac: {  	s6 =	sshll.u32 s26, $0x1;
	_ =	strace $0x80000046;
	[dreg:$0x1] =	wrdreg $0xFFFFFFFF  }
0xad: {  	s28 =	simm.s32 $_size_execute0_lowered;
	s4 =	sadd.s32 s4, s6;
	[dreg:$0x0] =	wrdreg $0x0  }
0xae: {  	s6 =	sshll.u32 s28, $0x1;
	[dreg:$0x2] =	wrdreg s4  }
0xaf: {  	[dreg:$0x3] =	wrdreg s6  }
0xb0: {  	[dreg:$0x4] =	wrdreg $0xC0  }
0xb1: {  	_ =	task [dreg:s8], $0x5FFFF  }
0xb2: {  	[dreg:$0x1] =	wrdreg $0xFFFFFFFF  }
0xb3: {  	[dreg:$0x0] =	wrdreg $0x60  }
0xb4: {  	[dreg:$0x2] =	wrdreg s17  }
0xb5: {  	[dreg:$0x3] =	wrdreg s24  }
0xb6: {  	[dreg:$0x4] =	wrdreg s16  }
0xb7: {  	[dreg:$0x5] =	wrdreg $0x9  }
0xb8: {  	_ =	task.clear_ibuf [dreg:s8], $0x6FFFF;
	_ =	strace $0x90000046  }
0xb9: {  	s29 =	simm.s32 $0x9;
	_ =	strace $0x80000048  }
0xba: {  	_ =	swait.ge [sflag:s29], $0x1  }
0xbb: {  	[sflag:s29] =	ssyncadd.s32 $0xFFFFFFFF  }
0xbc: {  	_ =	strace $0x90000048  }
0xbd: {  	_ =	sfence  }
0xbe: {  	s30 =	sld [smem:$0x0];
	_ =	sdelay $0x2  }
0xbf: {  	s31 =	sshll.u32 s1, $0xD;
	s1 =	sshrl.u32 s1, $0x2  }
0xc0: {  	s3 =	sand.u32 $0x4000, s31;
	s1 =	sadd.s32 s1, s30  }
0xc1: {  	s0 =	sor.u32 s3, s0;
	s1 =	sshll.u32 s1, $0x11  }
0xc2: {  	s0 =	sor.u32 s1, s0  }
0xc3: {  	s0 =	sadd.s32 $0x8F2B, s0  }
0xc4: {  	[sflag:s0] =	ssyncadd.remote.s32 $0x1  }
0xc5: {  	_ =	sfence.sel $0xFFFF  }
0xc6: {  	[dreg:$0x0] =	wrdreg $0xFFFFFFFF;
	(pc) =	sbr.abs _section_cstart, $3  }
0xc7: {  	[dreg:$0x1] =	wrdreg $0xFFFFFFFF  }
0xc8: {  	_ =	task.clear_ibuf [dreg:s8], $0x2FFFF;
	_ =	strace $0x9FFFFFFF  }
0xc9: {  	(tm) =	ssettm $0x7FFFFFFF  }
tec
execute0_lowered:
.L_overlay_start_1:
0x0: {  	(tag) =	ssettag $0x1  }
0x1: {  	s0 =	rddreg [dreg:$0x0]  }
0x2: {  	s1 =	rddreg [dreg:$0x1];
	s2 =	srdreg.scid  }
0x3: {  	s5 =	stileid.u32;
	s3 =	rddreg [dreg:$0x2];
	s29 =	simm.s32 $0x200  }
0x4: {  	s30 =	simm.s32 $0x14200;
	s4 =	sand.u32 $0x1, s2;
	s5 =	sshll.u32 s5, $0x1  }
0x5: {  	s31 =	simm.s32 $0xA200;
	s28 =	simm.s32 $0x4;
	s5 =	sor.u32 s4, s5  }
0x6: {  	s2 =	simm.s32 $0x0;
	s15 =	sshll.u32 s5, $0x6;
	s7 =	smul.u32 $0xA000, s5  }
0x7: {  	s6 =	sshll.u32 s5, $0x4;
	s5 =	smul.u32 $0x2800, s5;
	s8 =	sor.u32 $0x8, s15  }
0x8: {  	[smem:$0x7FF] =	sst s2;
	s4 =	ssub.s32 $0x2, s4;
	s10 =	smul.u32 $0x280, s8  }
0x9: {  	_ =	strace $0x80000047;
	s25 =	sor.u32 $0x10, s15;
	s11 =	smul.u32 $0xA0, s8  }
0xa: {  	s12 =	sshrl.u32 s4, $0x1;
	s9 =	sadd.s32 s6, s1;
	s13 =	smul.u32 $0x280, s25  }
0xb: {  	s1 =	sadd.s32 $0x1400, s1;
	s18 =	sor.u32 $0x18, s15;
	s26 =	smul.u32 $0xA0, s25  }
0xc: {  	s4 =	ssub.s32 s4, s12;
	s0 =	sadd.s32 s0, s6;
	s20 =	smul.u32 $0x280, s18  }
0xd: {  	s16 =	sor.u32 $0x20, s15;
	s23 =	sor.u32 $0x28, s15;
	s14 =	smul.u32 $0xA0, s18  }
0xe: {  	s24 =	sor.u32 $0x30, s15;
	[dreg:$0x4] =	wrdreg s0;
	s17 =	smul.u32 $0x280, s16  }
0xf: {  	s19 =	sadd.s32 $0xE00, s9;
	s21 =	sadd.s32 $0x1000, s9;
	s22 =	smul.u32 $0xA0, s16  }
0x10: {  	s6 =	sadd.s32 $0x1200, s9;
	s7 =	sadd.s32 s1, s7;
	s18 =	smul.u32 $0x280, s23  }
0x11: {  	s8 =	sadd.s32 s3, s5;
	s25 =	smul.u32 $0x280, s24;
	[dreg:$0x5] =	wrdreg s19  }
0x12: {  	s0 =	simm.s32 $0x1;
	[dreg:$0x6] =	wrdreg s21;
	s19 =	smul.u32 $0xA0, s23  }
0x13: {  	s21 =	sor.u32 $0x38, s15;
	s23 =	smax.u32 s4, $0x1;
	s9 =	sadd.s32 s1, s10  }
0x14: {  	s10 =	sadd.s32 s3, s11;
	s11 =	sadd.s32 s1, s13;
	s12 =	sadd.s32 s3, s26  }
0x15: {  	s13 =	sadd.s32 s1, s20;
	s14 =	sadd.s32 s3, s14;
	s20 =	smul.u32 $0xA0, s24  }
0x16: {  	s15 =	sadd.s32 s1, s17;
	s16 =	sadd.s32 s3, s22;
	s26 =	smul.u32 $0x280, s21  }
0x17: {  	s17 =	sadd.s32 s1, s18;
	s22 =	smul.u32 $0xA0, s21;
	s24 =	simm.s32 $0x5  }
0x18: {  	v1 =	vlaneseq.u32;
	s18 =	sadd.s32 s3, s19;
	s19 =	sadd.s32 s1, s25;
	s25 =	simm.s32 $0x3  }
0x19: {  	v0 =	vimm.f32 $0.0e+00;
	v3 =	vshrl.u32 v1, $0x1;
	s20 =	sadd.s32 s3, s20;
	s21 =	sadd.s32 s1, s26;
	s22 =	sadd.s32 s3, s22  }
0x1a: {  	v1 =	vimm.s32 $0x0;
	v2 =	vmul.u32 $0x1400, v3;
	v3 =	vmul.u32 $0x500, v3;
	s1 =	simm.s32 $0x16A00;
	s26 =	simm.s32 $0x2;
	s3 =	simm.s32 $0x0  }
.LBB2_1:
0x1b: {  	s4 =	rddreg [dreg:$0x4]  }
0x1c: {  	[tilespmem:s2], [sflag:$0x5] =	stream.linear.gather [hbm4b:s4+s2], $0x80, $0x38;
	[tilespmem:$0x19200] =	vst v63  }
0x1d: {  	_ =	swait.ge [sflag:s24], $0x80  }
0x1e: {  	[sflag:s24] =	ssyncset.done $0x0  }
0x1f: {  	s5 =	simm.s32 $0x80;
	s4 =	rddreg [dreg:$0x5];
	[sflag:s24] =	ssyncadd.s32 $0xFFFFFF80  }
0x20: {  	[tilespmem:s5], [sflag:$0x5] =	stream.linear.gather [hbm4b:s4+s2], $0x80, $0x38;
	[tilespmem:$0x19200] =	vst v63  }
0x21: {  	_ =	swait.ge [sflag:s24], $0x80  }
0x22: {  	[sflag:s24] =	ssyncset.done $0x0  }
0x23: {  	s5 =	simm.s32 $0x100;
	s4 =	rddreg [dreg:$0x6];
	[sflag:s24] =	ssyncadd.s32 $0xFFFFFF80  }
0x24: {  	[tilespmem:s5], [sflag:$0x5] =	stream.linear.gather [hbm4b:s4+s2], $0x80, $0x38;
	[tilespmem:$0x19200] =	vst v63  }
0x25: {  	_ =	swait.ge [sflag:s24], $0x80  }
0x26: {  	[sflag:s24] =	ssyncset.done $0x0  }
0x27: {  	s5 =	simm.s32 $0x180;
	[sflag:s24] =	ssyncadd.s32 $0xFFFFFF80  }
0x28: {  	[tilespmem:s5], [sflag:$0x5] =	stream.linear.gather [hbm4b:s6+s2], $0x80, $0x38;
	[tilespmem:$0x19200] =	vst v63  }
0x29: {  	_ =	swait.ge [sflag:s24], $0x80  }
0x2a: {  	[sflag:s24] =	ssyncset.done $0x0  }
0x2b: {  	s4 =	simm.s32 $0x0;
	s5 =	simm.s32 $0x400;
	[sflag:s24] =	ssyncadd.s32 $0xFFFFFF80  }
.LBB2_2:
0x2c: {  	p0 =	sne.s32 s5, $0x27C00;
	[tilespmem:s4+$0x2F0] =	vst v0  }
0x2d: {  	[tilespmem:s4+$0x200] =	vst v0  }
0x2e: {  	[tilespmem:s4+$0x210] =	vst v0  }
0x2f: {  	[tilespmem:s4+$0x220] =	vst v0  }
0x30: {  	[tilespmem:s4+$0x230] =	vst v0  }
0x31: {  	[tilespmem:s4+$0x240] =	vst v0  }
0x32: {  	[tilespmem:s4+$0x250] =	vst v0  }
0x33: {  	[tilespmem:s4+$0x260] =	vst v0  }
0x34: {  	[tilespmem:s4+$0x270] =	vst v0  }
0x35: {  	[tilespmem:s4+$0x280] =	vst v0  }
0x36: {  	[tilespmem:s4+$0x290] =	vst v0  }
.Ltmp0:
0x37: {  	[tilespmem:s4+$0x2A0] =	vst v0;
	(pc) =	sbr.rel @p0 .LBB2_2-.Ltmp0, $4  }
0x38: {  	[tilespmem:s4+$0x2B0] =	vst v0  }
0x39: {  	[tilespmem:s4+$0x2C0] =	vst v0  }
0x3a: {  	[tilespmem:s4+$0x2D0] =	vst v0  }
0x3b: {  	[tilespmem:s4+$0x2E0] =	vst v0;
	s4 =	sshra.s32 s5, $0x2;
	s5 =	sadd.s32 $0x400, s5  }
0x3c: {  	[tilespmem:s4+$0x2F0] =	vst v0  }
0x3d: {  	[tilespmem:s4+$0x200] =	vst v0  }
0x3e: {  	[tilespmem:s4+$0x210] =	vst v0  }
0x3f: {  	[tilespmem:s4+$0x220] =	vst v0  }
0x40: {  	[tilespmem:s4+$0x230] =	vst v0  }
0x41: {  	[tilespmem:s4+$0x240] =	vst v0  }
0x42: {  	[tilespmem:s4+$0x250] =	vst v0  }
0x43: {  	[tilespmem:s4+$0x260] =	vst v0  }
0x44: {  	[tilespmem:s4+$0x270] =	vst v0  }
0x45: {  	[tilespmem:s4+$0x280] =	vst v0  }
0x46: {  	[tilespmem:s4+$0x290] =	vst v0  }
0x47: {  	[tilespmem:s4+$0x2A0] =	vst v0  }
0x48: {  	[tilespmem:s4+$0x2B0] =	vst v0  }
0x49: {  	[tilespmem:s4+$0x2C0] =	vst v0  }
0x4a: {  	[tilespmem:s4+$0x2D0] =	vst v0  }
0x4b: {  	[tilespmem:s4+$0x2E0] =	vst v0;
	s4 =	simm.s32 $0x0;
	s5 =	simm.s32 $0x400  }
.LBB2_4:
0x4c: {  	p0 =	sne.s32 s5, $0x9C00;
	[tilespmem:s4+$0x142F0] =	vst v1  }
0x4d: {  	[tilespmem:s4+$0x14200] =	vst v1  }
0x4e: {  	[tilespmem:s4+$0x14210] =	vst v1  }
0x4f: {  	[tilespmem:s4+$0x14220] =	vst v1  }
0x50: {  	[tilespmem:s4+$0x14230] =	vst v1  }
0x51: {  	[tilespmem:s4+$0x14240] =	vst v1  }
0x52: {  	[tilespmem:s4+$0x14250] =	vst v1  }
0x53: {  	[tilespmem:s4+$0x14260] =	vst v1  }
0x54: {  	[tilespmem:s4+$0x14270] =	vst v1  }
0x55: {  	[tilespmem:s4+$0x14280] =	vst v1  }
0x56: {  	[tilespmem:s4+$0x14290] =	vst v1  }
.Ltmp1:
0x57: {  	[tilespmem:s4+$0x142A0] =	vst v1;
	(pc) =	sbr.rel @p0 .LBB2_4-.Ltmp1, $4  }
0x58: {  	[tilespmem:s4+$0x142B0] =	vst v1  }
0x59: {  	[tilespmem:s4+$0x142C0] =	vst v1  }
0x5a: {  	[tilespmem:s4+$0x142D0] =	vst v1  }
0x5b: {  	[tilespmem:s4+$0x142E0] =	vst v1;
	s4 =	sshra.s32 s5, $0x2;
	s5 =	sadd.s32 $0x400, s5  }
0x5c: {  	[tilespmem:s4+$0x142F0] =	vst v1  }
0x5d: {  	[tilespmem:s4+$0x14200] =	vst v1  }
0x5e: {  	[tilespmem:s4+$0x14210] =	vst v1  }
0x5f: {  	[tilespmem:s4+$0x14220] =	vst v1  }
0x60: {  	[tilespmem:s4+$0x14230] =	vst v1  }
0x61: {  	[tilespmem:s4+$0x14240] =	vst v1  }
0x62: {  	[tilespmem:s4+$0x14250] =	vst v1  }
0x63: {  	[tilespmem:s4+$0x14260] =	vst v1  }
0x64: {  	[tilespmem:s4+$0x14270] =	vst v1  }
0x65: {  	[tilespmem:s4+$0x14280] =	vst v1  }
0x66: {  	[tilespmem:s4+$0x14290] =	vst v1  }
0x67: {  	[tilespmem:s4+$0x142A0] =	vst v1  }
0x68: {  	[tilespmem:s4+$0x142B0] =	vst v1  }
0x69: {  	[tilespmem:s4+$0x142C0] =	vst v1  }
0x6a: {  	[tilespmem:s4+$0x142D0] =	vst v1  }
0x6b: {  	[tilespmem:s4+$0x142E0] =	vst v1  }
0x6c: {  	v4 =	vld [tilespmem:$0x0];
	_ =	sdelay $0x4  }
0x6d: {  	v5 =	vld [tilespmem:$0x100];
	v4 =	vadd.s32 v2, v4;
	_ =	sdelay $0x4  }
0x6e: {  	[tilespmem:v4+s29+$0x0] =	vst.idx.msk $0xffff, v5  }
0x6f: {  	v4 =	vld [tilespmem:$0x80];
	_ =	sdelay $0x4  }
0x70: {  	v5 =	vld [tilespmem:$0x180];
	v4 =	vadd.s32 v3, v4;
	_ =	sdelay $0x4  }
0x71: {  	s5 =	simm.s32 $0x0;
	[tilespmem:v4+s30+$0x0] =	vst.idx.msk $0xffff, v5  }
0x72: {  	[hbm4b:s7+s5] =	stream.linear.scatter [tilespmem:s29], [sflag:$0x1], $0xA000, $0x38;
	[tilespmem:$0x19200] =	vst v63  }
0x73: {  	_ = 	snop  }
0x74: {  	[hbm4b:s8+s5] =	stream.linear.scatter [tilespmem:s30], [sflag:$0x3], $0x2800, $0x38;
	[tilespmem:$0x19200] =	vst v63  }
0x75: {  	s4 =	simm.s32 $0x0;
	s5 =	simm.s32 $0x400  }
.LBB2_6:
0x76: {  	p0 =	sne.s32 s5, $0x27C00;
	[tilespmem:s4+$0xA2F0] =	vst v0  }
0x77: {  	[tilespmem:s4+$0xA200] =	vst v0  }
0x78: {  	[tilespmem:s4+$0xA210] =	vst v0  }
0x79: {  	[tilespmem:s4+$0xA220] =	vst v0  }
0x7a: {  	[tilespmem:s4+$0xA230] =	vst v0  }
0x7b: {  	[tilespmem:s4+$0xA240] =	vst v0  }
0x7c: {  	[tilespmem:s4+$0xA250] =	vst v0  }
0x7d: {  	[tilespmem:s4+$0xA260] =	vst v0  }
0x7e: {  	[tilespmem:s4+$0xA270] =	vst v0  }
0x7f: {  	[tilespmem:s4+$0xA280] =	vst v0  }
0x80: {  	[tilespmem:s4+$0xA290] =	vst v0  }
.Ltmp2:
0x81: {  	[tilespmem:s4+$0xA2A0] =	vst v0;
	(pc) =	sbr.rel @p0 .LBB2_6-.Ltmp2, $4  }
0x82: {  	[tilespmem:s4+$0xA2B0] =	vst v0  }
0x83: {  	[tilespmem:s4+$0xA2C0] =	vst v0  }
0x84: {  	[tilespmem:s4+$0xA2D0] =	vst v0  }
0x85: {  	[tilespmem:s4+$0xA2E0] =	vst v0;
	s4 =	sshra.s32 s5, $0x2;
	s5 =	sadd.s32 $0x400, s5  }
0x86: {  	[tilespmem:s4+$0xA2F0] =	vst v0  }
0x87: {  	[tilespmem:s4+$0xA200] =	vst v0  }
0x88: {  	[tilespmem:s4+$0xA210] =	vst v0  }
0x89: {  	[tilespmem:s4+$0xA220] =	vst v0  }
0x8a: {  	[tilespmem:s4+$0xA230] =	vst v0  }
0x8b: {  	[tilespmem:s4+$0xA240] =	vst v0  }
0x8c: {  	[tilespmem:s4+$0xA250] =	vst v0  }
0x8d: {  	[tilespmem:s4+$0xA260] =	vst v0  }
0x8e: {  	[tilespmem:s4+$0xA270] =	vst v0  }
0x8f: {  	[tilespmem:s4+$0xA280] =	vst v0  }
0x90: {  	[tilespmem:s4+$0xA290] =	vst v0  }
0x91: {  	[tilespmem:s4+$0xA2A0] =	vst v0  }
0x92: {  	[tilespmem:s4+$0xA2B0] =	vst v0  }
0x93: {  	[tilespmem:s4+$0xA2C0] =	vst v0  }
0x94: {  	[tilespmem:s4+$0xA2D0] =	vst v0  }
0x95: {  	[tilespmem:s4+$0xA2E0] =	vst v0;
	s4 =	simm.s32 $0x0;
	s5 =	simm.s32 $0x400  }
.LBB2_8:
0x96: {  	p0 =	sne.s32 s5, $0x9C00;
	[tilespmem:s4+$0x16AF0] =	vst v1  }
0x97: {  	[tilespmem:s4+$0x16A00] =	vst v1  }
0x98: {  	[tilespmem:s4+$0x16A10] =	vst v1  }
0x99: {  	[tilespmem:s4+$0x16A20] =	vst v1  }
0x9a: {  	[tilespmem:s4+$0x16A30] =	vst v1  }
0x9b: {  	[tilespmem:s4+$0x16A40] =	vst v1  }
0x9c: {  	[tilespmem:s4+$0x16A50] =	vst v1  }
0x9d: {  	[tilespmem:s4+$0x16A60] =	vst v1  }
0x9e: {  	[tilespmem:s4+$0x16A70] =	vst v1  }
0x9f: {  	[tilespmem:s4+$0x16A80] =	vst v1  }
0xa0: {  	[tilespmem:s4+$0x16A90] =	vst v1  }
.Ltmp3:
0xa1: {  	[tilespmem:s4+$0x16AA0] =	vst v1;
	(pc) =	sbr.rel @p0 .LBB2_8-.Ltmp3, $4  }
0xa2: {  	[tilespmem:s4+$0x16AB0] =	vst v1  }
0xa3: {  	[tilespmem:s4+$0x16AC0] =	vst v1  }
0xa4: {  	[tilespmem:s4+$0x16AD0] =	vst v1  }
0xa5: {  	[tilespmem:s4+$0x16AE0] =	vst v1;
	s4 =	sshra.s32 s5, $0x2;
	s5 =	sadd.s32 $0x400, s5  }
0xa6: {  	[tilespmem:s4+$0x16AF0] =	vst v1  }
0xa7: {  	[tilespmem:s4+$0x16A00] =	vst v1  }
0xa8: {  	[tilespmem:s4+$0x16A10] =	vst v1  }
0xa9: {  	[tilespmem:s4+$0x16A20] =	vst v1  }
0xaa: {  	[tilespmem:s4+$0x16A30] =	vst v1  }
0xab: {  	[tilespmem:s4+$0x16A40] =	vst v1  }
0xac: {  	[tilespmem:s4+$0x16A50] =	vst v1  }
0xad: {  	[tilespmem:s4+$0x16A60] =	vst v1  }
0xae: {  	[tilespmem:s4+$0x16A70] =	vst v1  }
0xaf: {  	[tilespmem:s4+$0x16A80] =	vst v1  }
0xb0: {  	[tilespmem:s4+$0x16A90] =	vst v1  }
0xb1: {  	[tilespmem:s4+$0x16AA0] =	vst v1  }
0xb2: {  	[tilespmem:s4+$0x16AB0] =	vst v1  }
0xb3: {  	[tilespmem:s4+$0x16AC0] =	vst v1  }
0xb4: {  	[tilespmem:s4+$0x16AD0] =	vst v1  }
0xb5: {  	[tilespmem:s4+$0x16AE0] =	vst v1  }
0xb6: {  	v4 =	vld [tilespmem:$0x10];
	_ =	sdelay $0x4  }
0xb7: {  	v5 =	vld [tilespmem:$0x110];
	v4 =	vadd.s32 v2, v4;
	_ =	sdelay $0x4  }
0xb8: {  	[tilespmem:v4+s31+$0x0] =	vst.idx.msk $0xffff, v5  }
0xb9: {  	v4 =	vld [tilespmem:$0x90];
	_ =	sdelay $0x4  }
0xba: {  	v5 =	vld [tilespmem:$0x190];
	v4 =	vadd.s32 v3, v4;
	_ =	sdelay $0x4  }
0xbb: {  	[tilespmem:v4+s1+$0x0] =	vst.idx.msk $0xffff, v5  }
0xbc: {  	[hbm4b:s9+s2] =	stream.linear.scatter [tilespmem:s31], [sflag:$0x2], $0xA000, $0x38;
	[tilespmem:$0x19200] =	vst v63  }
0xbd: {  	_ = 	snop  }
0xbe: {  	[hbm4b:s10+s2] =	stream.linear.scatter [tilespmem:s1], [sflag:$0x4], $0x2800, $0x38;
	[tilespmem:$0x19200] =	vst v63  }
0xbf: {  	_ =	swait.ge [sflag:s0], $0xA000  }
0xc0: {  	[sflag:s0] =	ssyncset.done $0x0  }
0xc1: {  	[sflag:s0] =	ssyncadd.s32 $0xFFFF6000  }
0xc2: {  	_ =	swait.ge [sflag:s25], $0x2800  }
0xc3: {  	[sflag:s25] =	ssyncset.done $0x0  }
0xc4: {  	[sflag:s25] =	ssyncadd.s32 $0xFFFFD800  }
0xc5: {  	v4 =	vld [tilespmem:$0x0];
	_ =	sdelay $0x4  }
0xc6: {  	v4 =	vadd.s32 v2, v4;
	_ =	sdelay $0x4  }
0xc7: {  	[tilespmem:v4+s29+$0x0] =	vst.idx.msk $0xffff, v0  }
0xc8: {  	v4 =	vld [tilespmem:$0x80];
	_ =	sdelay $0x4  }
0xc9: {  	v4 =	vadd.s32 v3, v4;
	_ =	sdelay $0x4  }
0xca: {  	[tilespmem:v4+s30+$0x0] =	vst.idx.msk $0xffff, v1  }
0xcb: {  	v4 =	vld [tilespmem:$0x20];
	_ =	sdelay $0x4  }
0xcc: {  	v5 =	vld [tilespmem:$0x120];
	v4 =	vadd.s32 v2, v4;
	_ =	sdelay $0x4  }
0xcd: {  	[tilespmem:v4+s29+$0x0] =	vst.idx.msk $0xffff, v5  }
0xce: {  	v4 =	vld [tilespmem:$0xA0];
	_ =	sdelay $0x4  }
0xcf: {  	v5 =	vld [tilespmem:$0x1A0];
	v4 =	vadd.s32 v3, v4;
	_ =	sdelay $0x4  }
0xd0: {  	[tilespmem:v4+s30+$0x0] =	vst.idx.msk $0xffff, v5  }
0xd1: {  	[hbm4b:s11+s2] =	stream.linear.scatter [tilespmem:s29], [sflag:$0x1], $0xA000, $0x38;
	[tilespmem:$0x19200] =	vst v63  }
0xd2: {  	_ = 	snop  }
0xd3: {  	[hbm4b:s12+s2] =	stream.linear.scatter [tilespmem:s30], [sflag:$0x3], $0x2800, $0x38;
	[tilespmem:$0x19200] =	vst v63  }
0xd4: {  	_ =	swait.ge [sflag:s26], $0xA000  }
0xd5: {  	[sflag:s26] =	ssyncset.done $0x0  }
0xd6: {  	[sflag:s26] =	ssyncadd.s32 $0xFFFF6000  }
0xd7: {  	_ =	swait.ge [sflag:s28], $0x2800  }
0xd8: {  	[sflag:s28] =	ssyncset.done $0x0  }
0xd9: {  	[sflag:s28] =	ssyncadd.s32 $0xFFFFD800  }
0xda: {  	v4 =	vld [tilespmem:$0x10];
	_ =	sdelay $0x4  }
0xdb: {  	v4 =	vadd.s32 v2, v4;
	_ =	sdelay $0x4  }
0xdc: {  	[tilespmem:v4+s31+$0x0] =	vst.idx.msk $0xffff, v0  }
0xdd: {  	v4 =	vld [tilespmem:$0x90];
	_ =	sdelay $0x4  }
0xde: {  	v4 =	vadd.s32 v3, v4;
	_ =	sdelay $0x4  }
0xdf: {  	[tilespmem:v4+s1+$0x0] =	vst.idx.msk $0xffff, v1  }
0xe0: {  	v4 =	vld [tilespmem:$0x30];
	_ =	sdelay $0x4  }
0xe1: {  	v5 =	vld [tilespmem:$0x130];
	v4 =	vadd.s32 v2, v4;
	_ =	sdelay $0x4  }
0xe2: {  	[tilespmem:v4+s31+$0x0] =	vst.idx.msk $0xffff, v5  }
0xe3: {  	v4 =	vld [tilespmem:$0xB0];
	_ =	sdelay $0x4  }
0xe4: {  	v5 =	vld [tilespmem:$0x1B0];
	v4 =	vadd.s32 v3, v4;
	_ =	sdelay $0x4  }
0xe5: {  	[tilespmem:v4+s1+$0x0] =	vst.idx.msk $0xffff, v5  }
0xe6: {  	[hbm4b:s13+s2] =	stream.linear.scatter [tilespmem:s31], [sflag:$0x2], $0xA000, $0x38;
	[tilespmem:$0x19200] =	vst v63  }
0xe7: {  	_ = 	snop  }
0xe8: {  	[hbm4b:s14+s2] =	stream.linear.scatter [tilespmem:s1], [sflag:$0x4], $0x2800, $0x38;
	[tilespmem:$0x19200] =	vst v63  }
0xe9: {  	_ =	swait.ge [sflag:s0], $0xA000  }
0xea: {  	[sflag:s0] =	ssyncset.done $0x0  }
0xeb: {  	[sflag:s0] =	ssyncadd.s32 $0xFFFF6000  }
0xec: {  	_ =	swait.ge [sflag:s25], $0x2800  }
0xed: {  	[sflag:s25] =	ssyncset.done $0x0  }
0xee: {  	[sflag:s25] =	ssyncadd.s32 $0xFFFFD800  }
0xef: {  	v4 =	vld [tilespmem:$0x20];
	_ =	sdelay $0x4  }
0xf0: {  	v4 =	vadd.s32 v2, v4;
	_ =	sdelay $0x4  }
0xf1: {  	[tilespmem:v4+s29+$0x0] =	vst.idx.msk $0xffff, v0  }
0xf2: {  	v4 =	vld [tilespmem:$0xA0];
	_ =	sdelay $0x4  }
0xf3: {  	v4 =	vadd.s32 v3, v4;
	_ =	sdelay $0x4  }
0xf4: {  	[tilespmem:v4+s30+$0x0] =	vst.idx.msk $0xffff, v1  }
0xf5: {  	v4 =	vld [tilespmem:$0x40];
	_ =	sdelay $0x4  }
0xf6: {  	v5 =	vld [tilespmem:$0x140];
	v4 =	vadd.s32 v2, v4;
	_ =	sdelay $0x4  }
0xf7: {  	[tilespmem:v4+s29+$0x0] =	vst.idx.msk $0xffff, v5  }
0xf8: {  	v4 =	vld [tilespmem:$0xC0];
	_ =	sdelay $0x4  }
0xf9: {  	v5 =	vld [tilespmem:$0x1C0];
	v4 =	vadd.s32 v3, v4;
	_ =	sdelay $0x4  }
0xfa: {  	[tilespmem:v4+s30+$0x0] =	vst.idx.msk $0xffff, v5  }
0xfb: {  	[hbm4b:s15+s2] =	stream.linear.scatter [tilespmem:s29], [sflag:$0x1], $0xA000, $0x38;
	[tilespmem:$0x19200] =	vst v63  }
0xfc: {  	_ = 	snop  }
0xfd: {  	[hbm4b:s16+s2] =	stream.linear.scatter [tilespmem:s30], [sflag:$0x3], $0x2800, $0x38;
	[tilespmem:$0x19200] =	vst v63  }
0xfe: {  	_ =	swait.ge [sflag:s26], $0xA000  }
0xff: {  	[sflag:s26] =	ssyncset.done $0x0  }
0x100: {  	[sflag:s26] =	ssyncadd.s32 $0xFFFF6000  }
0x101: {  	_ =	swait.ge [sflag:s28], $0x2800  }
0x102: {  	[sflag:s28] =	ssyncset.done $0x0  }
0x103: {  	[sflag:s28] =	ssyncadd.s32 $0xFFFFD800  }
0x104: {  	v4 =	vld [tilespmem:$0x30];
	_ =	sdelay $0x4  }
0x105: {  	v4 =	vadd.s32 v2, v4;
	_ =	sdelay $0x4  }
0x106: {  	[tilespmem:v4+s31+$0x0] =	vst.idx.msk $0xffff, v0  }
0x107: {  	v4 =	vld [tilespmem:$0xB0];
	_ =	sdelay $0x4  }
0x108: {  	v4 =	vadd.s32 v3, v4;
	_ =	sdelay $0x4  }
0x109: {  	[tilespmem:v4+s1+$0x0] =	vst.idx.msk $0xffff, v1  }
0x10a: {  	v4 =	vld [tilespmem:$0x50];
	_ =	sdelay $0x4  }
0x10b: {  	v5 =	vld [tilespmem:$0x150];
	v4 =	vadd.s32 v2, v4;
	_ =	sdelay $0x4  }
0x10c: {  	[tilespmem:v4+s31+$0x0] =	vst.idx.msk $0xffff, v5  }
0x10d: {  	v4 =	vld [tilespmem:$0xD0];
	_ =	sdelay $0x4  }
0x10e: {  	v5 =	vld [tilespmem:$0x1D0];
	v4 =	vadd.s32 v3, v4;
	_ =	sdelay $0x4  }
0x10f: {  	[tilespmem:v4+s1+$0x0] =	vst.idx.msk $0xffff, v5  }
0x110: {  	[hbm4b:s17+s2] =	stream.linear.scatter [tilespmem:s31], [sflag:$0x2], $0xA000, $0x38;
	[tilespmem:$0x19200] =	vst v63  }
0x111: {  	_ = 	snop  }
0x112: {  	[hbm4b:s18+s2] =	stream.linear.scatter [tilespmem:s1], [sflag:$0x4], $0x2800, $0x38;
	[tilespmem:$0x19200] =	vst v63  }
0x113: {  	_ =	swait.ge [sflag:s0], $0xA000  }
0x114: {  	[sflag:s0] =	ssyncset.done $0x0  }
0x115: {  	[sflag:s0] =	ssyncadd.s32 $0xFFFF6000  }
0x116: {  	_ =	swait.ge [sflag:s25], $0x2800  }
0x117: {  	[sflag:s25] =	ssyncset.done $0x0  }
0x118: {  	[sflag:s25] =	ssyncadd.s32 $0xFFFFD800  }
0x119: {  	v4 =	vld [tilespmem:$0x40];
	_ =	sdelay $0x4  }
0x11a: {  	v4 =	vadd.s32 v2, v4;
	_ =	sdelay $0x4  }
0x11b: {  	[tilespmem:v4+s29+$0x0] =	vst.idx.msk $0xffff, v0  }
0x11c: {  	v4 =	vld [tilespmem:$0xC0];
	_ =	sdelay $0x4  }
0x11d: {  	v4 =	vadd.s32 v3, v4;
	_ =	sdelay $0x4  }
0x11e: {  	[tilespmem:v4+s30+$0x0] =	vst.idx.msk $0xffff, v1  }
0x11f: {  	v4 =	vld [tilespmem:$0x60];
	_ =	sdelay $0x4  }
0x120: {  	v5 =	vld [tilespmem:$0x160];
	v4 =	vadd.s32 v2, v4;
	_ =	sdelay $0x4  }
0x121: {  	[tilespmem:v4+s29+$0x0] =	vst.idx.msk $0xffff, v5  }
0x122: {  	v4 =	vld [tilespmem:$0xE0];
	_ =	sdelay $0x4  }
0x123: {  	v5 =	vld [tilespmem:$0x1E0];
	v4 =	vadd.s32 v3, v4;
	_ =	sdelay $0x4  }
0x124: {  	[tilespmem:v4+s30+$0x0] =	vst.idx.msk $0xffff, v5  }
0x125: {  	[hbm4b:s19+s2] =	stream.linear.scatter [tilespmem:s29], [sflag:$0x1], $0xA000, $0x38;
	[tilespmem:$0x19200] =	vst v63  }
0x126: {  	_ = 	snop  }
0x127: {  	[hbm4b:s20+s2] =	stream.linear.scatter [tilespmem:s30], [sflag:$0x3], $0x2800, $0x38;
	[tilespmem:$0x19200] =	vst v63  }
0x128: {  	_ =	swait.ge [sflag:s26], $0xA000  }
0x129: {  	[sflag:s26] =	ssyncset.done $0x0  }
0x12a: {  	[sflag:s26] =	ssyncadd.s32 $0xFFFF6000  }
0x12b: {  	_ =	swait.ge [sflag:s28], $0x2800  }
0x12c: {  	[sflag:s28] =	ssyncset.done $0x0  }
0x12d: {  	[sflag:s28] =	ssyncadd.s32 $0xFFFFD800  }
0x12e: {  	v4 =	vld [tilespmem:$0x50];
	_ =	sdelay $0x4  }
0x12f: {  	v4 =	vadd.s32 v2, v4;
	_ =	sdelay $0x4  }
0x130: {  	[tilespmem:v4+s31+$0x0] =	vst.idx.msk $0xffff, v0  }
0x131: {  	v4 =	vld [tilespmem:$0xD0];
	_ =	sdelay $0x4  }
0x132: {  	v4 =	vadd.s32 v3, v4;
	_ =	sdelay $0x4  }
0x133: {  	[tilespmem:v4+s1+$0x0] =	vst.idx.msk $0xffff, v1  }
0x134: {  	v4 =	vld [tilespmem:$0x70];
	_ =	sdelay $0x4  }
0x135: {  	v5 =	vld [tilespmem:$0x170];
	v4 =	vadd.s32 v2, v4;
	_ =	sdelay $0x4  }
0x136: {  	[tilespmem:v4+s31+$0x0] =	vst.idx.msk $0xffff, v5  }
0x137: {  	v4 =	vld [tilespmem:$0xF0];
	_ =	sdelay $0x4  }
0x138: {  	v5 =	vld [tilespmem:$0x1F0];
	v4 =	vadd.s32 v3, v4;
	_ =	sdelay $0x4  }
0x139: {  	[tilespmem:v4+s1+$0x0] =	vst.idx.msk $0xffff, v5  }
0x13a: {  	[hbm4b:s21+s2] =	stream.linear.scatter [tilespmem:s31], [sflag:$0x2], $0xA000, $0x38;
	[tilespmem:$0x19200] =	vst v63  }
0x13b: {  	_ = 	snop  }
0x13c: {  	[hbm4b:s22+s2] =	stream.linear.scatter [tilespmem:s1], [sflag:$0x4], $0x2800, $0x38;
	[tilespmem:$0x19200] =	vst v63  }
0x13d: {  	_ =	swait.ge [sflag:s0], $0xA000  }
0x13e: {  	[sflag:s0] =	ssyncset.done $0x0  }
0x13f: {  	[sflag:s0] =	ssyncadd.s32 $0xFFFF6000  }
0x140: {  	_ =	swait.ge [sflag:s25], $0x2800  }
0x141: {  	[sflag:s25] =	ssyncset.done $0x0  }
0x142: {  	s3 =	sadd.s32 $0x1, s3;
	[sflag:s25] =	ssyncadd.s32 $0xFFFFD800  }
0x143: {  	p0 =	sne.s32 s3, s23;
	_ =	swait.ge [sflag:s26], $0xA000  }
.Ltmp4:
0x144: {  	[sflag:s26] =	ssyncset.done $0x0;
	(pc) =	sbr.rel @p0 .LBB2_1-.Ltmp4, $4  }
0x145: {  	[sflag:s26] =	ssyncadd.s32 $0xFFFF6000  }
0x146: {  	_ =	swait.ge [sflag:s28], $0x2800  }
0x147: {  	[sflag:s28] =	ssyncset.done $0x0  }
0x148: {  	[sflag:s28] =	ssyncadd.s32 $0xFFFFD800  }
0x149: {  	_ =	sfence.sel $0x180000  }
0x14a: {  	[bflag:$0x0] =	sbarrier.arrive $0xFFFF  }
0x14b: {  	_ =	strace $0x90000047  }
0x14c: {  	s0 =	stileid.u32;
	[bflag:$0x2] =	sbarrier.arrive $0xFFFF  }
0x14d: {  	p0 =	sne.s32 s0, $0x0;
	s0 =	rddreg [dreg:$0x3]  }
0x14e: {  	s0 =	sadd.s32 @!p0 $0x100000, s0  }
0x14f: {  	[sflag:s0] =	ssyncadd.tile.s32 @!p0 $0x1;
	_ =	shalt  }
.Lfunc_end2:
_tile_overlayer_lowered:
.L_overlay_start_2:
0x150: {  	(tag) =	ssettag $0x2  }
0x151: {  	s0 =	rddreg [dreg:$0x0];
	s2 =	stileid.u32  }
0x152: {  	s1 =	rddreg [dreg:$0x1];
	p0 =	sne.s32 s2, $0x0  }
0x153: {  	s3 =	rddreg [dreg:$0x2];
	[bflag:$0x3] =	sbarrier.arrive $0xFFFF;
	s2 =	simm.s32 @!p0 $0x1C05  }
0x154: {  	[timem:s3], [sflag:s2] =	dma.local @!p0 [hbm:s0], s1  }
0x155: {  	s0 =	simm.s32 @!p0 $0x5  }
0x156: {  	_ =	swait.ge @!p0 [sflag:s0], s1  }
0x157: {  	s1 =	ssub.s32 @!p0 $0x0, s1;
	[sflag:s0] =	ssyncset.done @!p0 $0x0  }
0x158: {  	[sflag:s0] =	ssyncadd.s32 @!p0 s1  }
0x159: {  	[bflag:$0x3] =	sbarrier.arrive $0xFFFF  }
0x15a: {  	_ =	shalt  }

</sc_bundles>
